<compile_context>
chip_gen: v7x
topology: tpu7x:2x2x1
jax: 0.10.2.dev20260603
libtpu: 0.0.44.dev20260713+nightly
codegen_flags: <defaults>
</compile_context>

<pallas_src>
import functools

import jax
import jax.numpy as jnp
from jax import lax
from jax.experimental import pallas as pl
from jax.experimental.pallas import tpu as pltpu
from jax.experimental.pallas import tpu_sc as plsc

_NC, _NS, _L = 2, 16, 16
_NW = _NC * _NS


def _tc_body(x_ref, pe_ref, o_ref):
    o_ref[...] = x_ref[...] + pe_ref[...]


def _tc_add(x, pe, s_hi, BS):
    B, S, D = x.shape
    return pl.pallas_call(
        _tc_body,
        grid=(s_hi // BS, B),
        in_specs=[
            pl.BlockSpec((1, BS, D), lambda s, b: (b, s, 0)),
            pl.BlockSpec((BS, D), lambda s, b: (s, 0)),
        ],
        out_specs=pl.BlockSpec((1, BS, D), lambda s, b: (b, s, 0)),
        out_shape=jax.ShapeDtypeStruct((B, s_hi, D), x.dtype),
    )(x, pe)


def _sc_add(x, pe, s0, s_len):
    B, S, D = x.shape
    PE_PER_W = s_len // _NW
    CH = min(PE_PER_W, 16)
    NCH = PE_PER_W // CH
    NT = NCH * B
    NV = D // _L

    mesh = plsc.VectorSubcoreMesh(core_axis_name="c", subcore_axis_name="s")

    @functools.partial(
        pl.kernel,
        out_type=jax.ShapeDtypeStruct((B, s_len, D), jnp.float32),
        mesh=mesh,
        scratch_types=[
            pltpu.VMEM((CH, D), jnp.float32),
            pltpu.VMEM((CH, D), jnp.float32),
            pltpu.VMEM((CH, D), jnp.float32),
            pltpu.VMEM((CH, D), jnp.float32),
            pltpu.SemaphoreType.DMA,
            pltpu.SemaphoreType.DMA,
            pltpu.SemaphoreType.DMA,
            pltpu.SemaphoreType.DMA,
            pltpu.SemaphoreType.DMA,
            pltpu.SemaphoreType.DMA,
        ],
    )
    def k(x_hbm, pe_hbm, out_hbm, bx0, bx1, bp0, bp1,
          sx0, sx1, sp0, sp1, so0, so1):
        bx, bp = [bx0, bx1], [bp0, bp1]
        sx, sp, so = [sx0, sx1], [sp0, sp1], [so0, so1]
        wid = lax.axis_index("s") * _NC + lax.axis_index("c")
        w_s0 = s0 + wid * PE_PER_W
        w_o0 = wid * PE_PER_W

        def start_xin(t):
            p, b = divmod(t, B)
            return pltpu.async_copy(
                x_hbm.at[b, pl.ds(w_s0 + p * CH, CH)], bx[t % 2], sx[t % 2])

        def start_pin(p):
            return pltpu.async_copy(
                pe_hbm.at[pl.ds(w_s0 + p * CH, CH)], bp[p % 2], sp[p % 2])

        pin_d = start_pin(0)
        xin_d = [None, None]
        out_d = [None, None]
        xin_d[0] = start_xin(0)

        for t in range(NT):
            c = t % 2
            p, b = divmod(t, B)
            if t + 1 < NT:
                if out_d[(t + 1) % 2] is not None:
                    out_d[(t + 1) % 2].wait()
                xin_d[(t + 1) % 2] = start_xin(t + 1)
            xin_d[c].wait()
            if b == 0:
                pin_d.wait()
                if p + 1 < NCH:
                    pin_d = start_pin(p + 1)
            cur_bp = bp[p % 2]
            cur_bx = bx[c]

            @plsc.parallel_loop(0, CH)
            def _row(r):
                @plsc.parallel_loop(0, NV, unroll=8)
                def _vec(j):
                    plsc.addupdate(cur_bx.at[r, pl.ds(j * _L, _L)],
                                   cur_bp[r, pl.ds(j * _L, _L)])

            out_d[c] = pltpu.async_copy(
                cur_bx, out_hbm.at[b, pl.ds(w_o0 + p * CH, CH)], so[c])

        out_d[0].wait()
        out_d[1].wait()

    return k(x, pe)


def kernel(x, pe):
    B, S, D = x.shape
    S_TC = 3072
    out_tc = _tc_add(x, pe, S_TC, 1536)
    out_sc = _sc_add(x, pe, S_TC, S - S_TC)
    return jnp.concatenate([out_tc, out_sc], axis=1)

# --- scband reference (transcript-rebuilt; emitter-appended) ---
"""Pipeline reference for scband-trainable-position-encoding-89902255440343 (READ-ONLY COPY).

The authoritative reference and input builder live on the scoring server;
editing this copy changes nothing except your own understanding.
"""

import jax, jax.numpy as jnp
import numpy as np

B, S, D = 4, 4096, 1024
MAX_LEN = 4096

def setup_inputs(seed: int = 0) -> dict:
    key = jax.random.key(seed)
    k1, k2 = jax.random.split(key)
    x = jax.random.normal(k1, (B, S, D), dtype=jnp.float32)
    # learned position embedding table [max_sequence_length, d_model]
    # (original inits to 0.0; use small random values so output is non-degenerate)
    pe = jax.random.normal(k2, (MAX_LEN, D), dtype=jnp.float32) * 0.02
    return {"x": x, "pe": pe}

def reference(x, pe):
    seq_len = x.shape[1]
    positions = jnp.arange(seq_len, dtype=jnp.int32)  # [S]
    # gather rows of the embedding table (embedding lookup)
    pos_emb = jnp.take(pe, positions, axis=0)  # [S, D]
    pos_emb = jnp.broadcast_to(pos_emb[None, :, :], x.shape)  # [B, S, D]
    return x + pos_emb

if __name__ == "__main__":
    import jax
    _d = setup_inputs()
    print(jax.jit(kernel)(*tuple(_d.values())))

</pallas_src>

<mosaic_0001>
#map = affine_map<(d0, d1) -> (0, 0, 0)>
#map1 = affine_map<(d0, d1) -> (0, 0)>
module attributes {stable_mosaic.version = 14 : i64} {
  func.func @k(%arg0: i32, %arg1: i32, %arg2: memref<4x4096x1024xf32, #tpu.memory_space<hbm>>, %arg3: memref<4096x1024xf32, #tpu.memory_space<hbm>>, %arg4: memref<4x1024x1024xf32, #tpu.memory_space<hbm>>, %arg5: memref<16x1024xf32, #tpu.memory_space<vmem>>, %arg6: memref<16x1024xf32, #tpu.memory_space<vmem>>, %arg7: memref<16x1024xf32, #tpu.memory_space<vmem>>, %arg8: memref<16x1024xf32, #tpu.memory_space<vmem>>, %arg9: memref<!tpu.dma_semaphore, #tpu.memory_space<semaphore_mem>>, %arg10: memref<!tpu.dma_semaphore, #tpu.memory_space<semaphore_mem>>, %arg11: memref<!tpu.dma_semaphore, #tpu.memory_space<semaphore_mem>>, %arg12: memref<!tpu.dma_semaphore, #tpu.memory_space<semaphore_mem>>, %arg13: memref<!tpu.dma_semaphore, #tpu.memory_space<semaphore_mem>>, %arg14: memref<!tpu.dma_semaphore, #tpu.memory_space<semaphore_mem>>) attributes {dimension_semantics = [#tpu.dimension_semantics<core_parallel>, #tpu.dimension_semantics<subcore_parallel>], iteration_bounds = array<i64: 2, 16>, scalar_prefetch = 0 : i64, scratch_operands = 10 : i64, tpu.core_type = #tpu.core_type<sc_vector_subcore>, window_params = [{transform_indices = #map}, {transform_indices = #map1}, {transform_indices = #map}]} {
    %mul3A = arith.constant 2 : i32
    %mul3A_0 = arith.muli %arg1, %mul3A : i32
    %add3A = arith.addi %mul3A_0, %arg0 : i32
    %mul3A_1 = arith.constant 32 : i32
    %mul3A_2 = arith.muli %add3A, %mul3A_1 : i32
    %add3A_3 = arith.constant 3072 : i32
    %add3A_4 = arith.addi %add3A_3, %mul3A_2 : i32
    %mul3A_5 = arith.constant 32 : i32
    %mul3A_6 = arith.muli %add3A, %mul3A_5 : i32
    %add3A_7 = arith.constant 0 : i32
    %add3A_8 = arith.addi %add3A_4, %add3A_7 : i32
    %dma_start3A = arith.constant 0 : i32
    %dma_start3A_9 = tpu.memref_slice %arg3[%add3A_8, %dma_start3A] : memref<4096x1024xf32, #tpu.memory_space<hbm>> -> memref<16x1024xf32, #tpu.memory_space<hbm>>
    %dma_start3A_10 = arith.constant 0 : i32
    %dma_start3A_11 = tpu.memref_slice %arg3[%add3A_8, %dma_start3A_10] : memref<4096x1024xf32, #tpu.memory_space<hbm>> -> memref<16x1024xf32, #tpu.memory_space<hbm>>
    tpu.enqueue_dma source(%dma_start3A_11 : memref<16x1024xf32, #tpu.memory_space<hbm>>) target(%arg7 : memref<16x1024xf32, #tpu.memory_space<vmem>>) target_semaphore(%arg11 : memref<!tpu.dma_semaphore, #tpu.memory_space<semaphore_mem>>)
    %add3A_12 = arith.constant 0 : i32
    %add3A_13 = arith.addi %add3A_4, %add3A_12 : i32
    %dma_start3A_14 = arith.constant 0 : i32
    %dma_start3A_15 = arith.constant 0 : i32
    %dma_start3A_16 = tpu.memref_slice %arg2[%dma_start3A_14, %add3A_13, %dma_start3A_15] : memref<4x4096x1024xf32, #tpu.memory_space<hbm>> -> memref<1x16x1024xf32, #tpu.memory_space<hbm>>
    %dma_start3A_17 = tpu.memref_squeeze %dma_start3A_16 : memref<1x16x1024xf32, #tpu.memory_space<hbm>> -> memref<16x1024xf32, #tpu.memory_space<hbm>>
    %dma_start3A_18 = arith.constant 0 : i32
    %dma_start3A_19 = tpu.memref_slice %arg2[%dma_start3A_14, %add3A_13, %dma_start3A_18] : memref<4x4096x1024xf32, #tpu.memory_space<hbm>> -> memref<1x16x1024xf32, #tpu.memory_space<hbm>>
    %dma_start3A_20 = tpu.memref_squeeze %dma_start3A_19 : memref<1x16x1024xf32, #tpu.memory_space<hbm>> -> memref<16x1024xf32, #tpu.memory_space<hbm>>
    tpu.enqueue_dma source(%dma_start3A_20 : memref<16x1024xf32, #tpu.memory_space<hbm>>) target(%arg5 : memref<16x1024xf32, #tpu.memory_space<vmem>>) target_semaphore(%arg9 : memref<!tpu.dma_semaphore, #tpu.memory_space<semaphore_mem>>)
    %add3A_21 = arith.constant 0 : i32
    %add3A_22 = arith.addi %add3A_4, %add3A_21 : i32
    %dma_start3A_23 = arith.constant 1 : i32
    %dma_start3A_24 = arith.constant 0 : i32
    %dma_start3A_25 = tpu.memref_slice %arg2[%dma_start3A_23, %add3A_22, %dma_start3A_24] : memref<4x4096x1024xf32, #tpu.memory_space<hbm>> -> memref<1x16x1024xf32, #tpu.memory_space<hbm>>
    %dma_start3A_26 = tpu.memref_squeeze %dma_start3A_25 : memref<1x16x1024xf32, #tpu.memory_space<hbm>> -> memref<16x1024xf32, #tpu.memory_space<hbm>>
    %dma_start3A_27 = arith.constant 0 : i32
    %dma_start3A_28 = tpu.memref_slice %arg2[%dma_start3A_23, %add3A_22, %dma_start3A_27] : memref<4x4096x1024xf32, #tpu.memory_space<hbm>> -> memref<1x16x1024xf32, #tpu.memory_space<hbm>>
    %dma_start3A_29 = tpu.memref_squeeze %dma_start3A_28 : memref<1x16x1024xf32, #tpu.memory_space<hbm>> -> memref<16x1024xf32, #tpu.memory_space<hbm>>
    tpu.enqueue_dma source(%dma_start3A_29 : memref<16x1024xf32, #tpu.memory_space<hbm>>) target(%arg6 : memref<16x1024xf32, #tpu.memory_space<vmem>>) target_semaphore(%arg10 : memref<!tpu.dma_semaphore, #tpu.memory_space<semaphore_mem>>)
    %dma_wait3A = arith.constant 0 : i32
    %dma_wait3A_30 = arith.constant 0 : i32
    %dma_wait3A_31 = tpu.memref_slice %arg2[%dma_wait3A, %add3A_13, %dma_wait3A_30] : memref<4x4096x1024xf32, #tpu.memory_space<hbm>> -> memref<1x16x1024xf32, #tpu.memory_space<hbm>>
    %dma_wait3A_32 = tpu.memref_squeeze %dma_wait3A_31 : memref<1x16x1024xf32, #tpu.memory_space<hbm>> -> memref<16x1024xf32, #tpu.memory_space<hbm>>
    %dma_wait3A_33 = arith.constant 0 : i32
    %dma_wait3A_34 = tpu.memref_slice %arg2[%dma_wait3A, %add3A_13, %dma_wait3A_33] : memref<4x4096x1024xf32, #tpu.memory_space<hbm>> -> memref<1x16x1024xf32, #tpu.memory_space<hbm>>
    %dma_wait3A_35 = tpu.memref_squeeze %dma_wait3A_34 : memref<1x16x1024xf32, #tpu.memory_space<hbm>> -> memref<16x1024xf32, #tpu.memory_space<hbm>>
    tpu.wait_dma2 semaphore(%arg9 : memref<!tpu.dma_semaphore, #tpu.memory_space<semaphore_mem>>) src(%dma_wait3A_35 : memref<16x1024xf32, #tpu.memory_space<hbm>>) dst(%arg5 : memref<16x1024xf32, #tpu.memory_space<vmem>>)
    %dma_wait3A_36 = arith.constant 0 : i32
    %dma_wait3A_37 = tpu.memref_slice %arg3[%add3A_8, %dma_wait3A_36] : memref<4096x1024xf32, #tpu.memory_space<hbm>> -> memref<16x1024xf32, #tpu.memory_space<hbm>>
    %dma_wait3A_38 = arith.constant 0 : i32
    %dma_wait3A_39 = tpu.memref_slice %arg3[%add3A_8, %dma_wait3A_38] : memref<4096x1024xf32, #tpu.memory_space<hbm>> -> memref<16x1024xf32, #tpu.memory_space<hbm>>
    tpu.wait_dma2 semaphore(%arg11 : memref<!tpu.dma_semaphore, #tpu.memory_space<semaphore_mem>>) src(%dma_wait3A_39 : memref<16x1024xf32, #tpu.memory_space<hbm>>) dst(%arg7 : memref<16x1024xf32, #tpu.memory_space<vmem>>)
    %add3A_40 = arith.constant 16 : i32
    %add3A_41 = arith.addi %add3A_4, %add3A_40 : i32
    %dma_start3A_42 = arith.constant 0 : i32
    %dma_start3A_43 = tpu.memref_slice %arg3[%add3A_41, %dma_start3A_42] : memref<4096x1024xf32, #tpu.memory_space<hbm>> -> memref<16x1024xf32, #tpu.memory_space<hbm>>
    %dma_start3A_44 = arith.constant 0 : i32
    %dma_start3A_45 = tpu.memref_slice %arg3[%add3A_41, %dma_start3A_44] : memref<4096x1024xf32, #tpu.memory_space<hbm>> -> memref<16x1024xf32, #tpu.memory_space<hbm>>
    tpu.enqueue_dma source(%dma_start3A_45 : memref<16x1024xf32, #tpu.memory_space<hbm>>) target(%arg8 : memref<16x1024xf32, #tpu.memory_space<vmem>>) target_semaphore(%arg12 : memref<!tpu.dma_semaphore, #tpu.memory_space<semaphore_mem>>)
    %parallel_loop3A = arith.constant 0 : i32
    %parallel_loop3A_46 = arith.constant 16 : i32
    %parallel_loop3A_47 = arith.constant 1 : i32
    scf.for %parallel_loop3A_304 = %parallel_loop3A to %parallel_loop3A_46 step %parallel_loop3A_47  : i32 {
      %parallel_loop3A_305 = arith.constant 0 : i32
      %parallel_loop3A_306 = arith.constant 64 : i32
      %parallel_loop3A_307 = arith.constant 1 : i32
      scf.for %parallel_loop3A_308 = %parallel_loop3A_305 to %parallel_loop3A_306 step %parallel_loop3A_307  : i32 {
        %parallel_loop3A_309 = arith.constant 16 : i32
        %parallel_loop3A_310 = arith.muli %parallel_loop3A_308, %parallel_loop3A_309 : i32
        %parallel_loop3A_311 = arith.constant 16 : i32
        %parallel_loop3A_312 = arith.muli %parallel_loop3A_308, %parallel_loop3A_311 : i32
        %parallel_loop3A_313 = arith.index_cast %parallel_loop3A_304 : i32 to index
        %parallel_loop3A_314 = arith.index_cast %parallel_loop3A_312 : i32 to index
        %parallel_loop3A_315 = tpu.vector_load %arg7[%parallel_loop3A_313, %parallel_loop3A_314] {strides = array<i32>} : memref<16x1024xf32, #tpu.memory_space<vmem>>, vector<1x16xf32>,
        %parallel_loop3A_316 = vector.shape_cast %parallel_loop3A_315 : vector<1x16xf32> to vector<16xf32>
        %parallel_loop3A_317 = arith.index_cast %parallel_loop3A_304 : i32 to index
        %parallel_loop3A_318 = arith.index_cast %parallel_loop3A_310 : i32 to index
        %parallel_loop3A_319 = tpu.vector_load %arg5[%parallel_loop3A_317, %parallel_loop3A_318] {strides = array<i32>} : memref<16x1024xf32, #tpu.memory_space<vmem>>, vector<1x16xf32>,
        %parallel_loop3A_320 = vector.shape_cast %parallel_loop3A_319 : vector<1x16xf32> to vector<16xf32>
        %parallel_loop3A_321 = vector.shape_cast %parallel_loop3A_316 : vector<16xf32> to vector<1x16xf32>
        tpu.vector_store %arg5[%parallel_loop3A_317, %parallel_loop3A_318], %parallel_loop3A_321 {add = true, strides = array<i32>} : memref<16x1024xf32, #tpu.memory_space<vmem>>, vector<1x16xf32>,
      } {sc.loop_unroll_factor = 8 : i64, sc.parallel_access}
    } {sc.loop_unroll_factor = 1 : i64, sc.parallel_access}
    %add3A_48 = arith.constant 0 : i32
    %add3A_49 = arith.addi %mul3A_6, %add3A_48 : i32
    %dma_start3A_50 = arith.constant 0 : i32
    %dma_start3A_51 = arith.constant 0 : i32
    %dma_start3A_52 = tpu.memref_slice %arg4[%dma_start3A_50, %add3A_49, %dma_start3A_51] : memref<4x1024x1024xf32, #tpu.memory_space<hbm>> -> memref<1x16x1024xf32, #tpu.memory_space<hbm>>
    %dma_start3A_53 = tpu.memref_squeeze %dma_start3A_52 : memref<1x16x1024xf32, #tpu.memory_space<hbm>> -> memref<16x1024xf32, #tpu.memory_space<hbm>>
    %dma_start3A_54 = arith.constant 0 : i32
    %dma_start3A_55 = tpu.memref_slice %arg4[%dma_start3A_50, %add3A_49, %dma_start3A_54] : memref<4x1024x1024xf32, #tpu.memory_space<hbm>> -> memref<1x16x1024xf32, #tpu.memory_space<hbm>>
    %dma_start3A_56 = tpu.memref_squeeze %dma_start3A_55 : memref<1x16x1024xf32, #tpu.memory_space<hbm>> -> memref<16x1024xf32, #tpu.memory_space<hbm>>
    tpu.enqueue_dma source(%arg5 : memref<16x1024xf32, #tpu.memory_space<vmem>>) target(%dma_start3A_56 : memref<16x1024xf32, #tpu.memory_space<hbm>>) target_semaphore(%arg13 : memref<!tpu.dma_semaphore, #tpu.memory_space<semaphore_mem>>)
    %dma_wait3A_57 = arith.constant 0 : i32
    %dma_wait3A_58 = arith.constant 0 : i32
    %dma_wait3A_59 = tpu.memref_slice %arg4[%dma_wait3A_57, %add3A_49, %dma_wait3A_58] : memref<4x1024x1024xf32, #tpu.memory_space<hbm>> -> memref<1x16x1024xf32, #tpu.memory_space<hbm>>
    %dma_wait3A_60 = tpu.memref_squeeze %dma_wait3A_59 : memref<1x16x1024xf32, #tpu.memory_space<hbm>> -> memref<16x1024xf32, #tpu.memory_space<hbm>>
    %dma_wait3A_61 = arith.constant 0 : i32
    %dma_wait3A_62 = tpu.memref_slice %arg4[%dma_wait3A_57, %add3A_49, %dma_wait3A_61] : memref<4x1024x1024xf32, #tpu.memory_space<hbm>> -> memref<1x16x1024xf32, #tpu.memory_space<hbm>>
    %dma_wait3A_63 = tpu.memref_squeeze %dma_wait3A_62 : memref<1x16x1024xf32, #tpu.memory_space<hbm>> -> memref<16x1024xf32, #tpu.memory_space<hbm>>
    tpu.wait_dma2 semaphore(%arg13 : memref<!tpu.dma_semaphore, #tpu.memory_space<semaphore_mem>>) src(%arg5 : memref<16x1024xf32, #tpu.memory_space<vmem>>) dst(%dma_wait3A_63 : memref<16x1024xf32, #tpu.memory_space<hbm>>)
    %add3A_64 = arith.constant 0 : i32
    %add3A_65 = arith.addi %add3A_4, %add3A_64 : i32
    %dma_start3A_66 = arith.constant 2 : i32
    %dma_start3A_67 = arith.constant 0 : i32
    %dma_start3A_68 = tpu.memref_slice %arg2[%dma_start3A_66, %add3A_65, %dma_start3A_67] : memref<4x4096x1024xf32, #tpu.memory_space<hbm>> -> memref<1x16x1024xf32, #tpu.memory_space<hbm>>
    %dma_start3A_69 = tpu.memref_squeeze %dma_start3A_68 : memref<1x16x1024xf32, #tpu.memory_space<hbm>> -> memref<16x1024xf32, #tpu.memory_space<hbm>>
    %dma_start3A_70 = arith.constant 0 : i32
    %dma_start3A_71 = tpu.memref_slice %arg2[%dma_start3A_66, %add3A_65, %dma_start3A_70] : memref<4x4096x1024xf32, #tpu.memory_space<hbm>> -> memref<1x16x1024xf32, #tpu.memory_space<hbm>>
    %dma_start3A_72 = tpu.memref_squeeze %dma_start3A_71 : memref<1x16x1024xf32, #tpu.memory_space<hbm>> -> memref<16x1024xf32, #tpu.memory_space<hbm>>
    tpu.enqueue_dma source(%dma_start3A_72 : memref<16x1024xf32, #tpu.memory_space<hbm>>) target(%arg5 : memref<16x1024xf32, #tpu.memory_space<vmem>>) target_semaphore(%arg9 : memref<!tpu.dma_semaphore, #tpu.memory_space<semaphore_mem>>)
    %dma_wait3A_73 = arith.constant 1 : i32
    %dma_wait3A_74 = arith.constant 0 : i32
    %dma_wait3A_75 = tpu.memref_slice %arg2[%dma_wait3A_73, %add3A_22, %dma_wait3A_74] : memref<4x4096x1024xf32, #tpu.memory_space<hbm>> -> memref<1x16x1024xf32, #tpu.memory_space<hbm>>
    %dma_wait3A_76 = tpu.memref_squeeze %dma_wait3A_75 : memref<1x16x1024xf32, #tpu.memory_space<hbm>> -> memref<16x1024xf32, #tpu.memory_space<hbm>>
    %dma_wait3A_77 = arith.constant 0 : i32
    %dma_wait3A_78 = tpu.memref_slice %arg2[%dma_wait3A_73, %add3A_22, %dma_wait3A_77] : memref<4x4096x1024xf32, #tpu.memory_space<hbm>> -> memref<1x16x1024xf32, #tpu.memory_space<hbm>>
    %dma_wait3A_79 = tpu.memref_squeeze %dma_wait3A_78 : memref<1x16x1024xf32, #tpu.memory_space<hbm>> -> memref<16x1024xf32, #tpu.memory_space<hbm>>
    tpu.wait_dma2 semaphore(%arg10 : memref<!tpu.dma_semaphore, #tpu.memory_space<semaphore_mem>>) src(%dma_wait3A_79 : memref<16x1024xf32, #tpu.memory_space<hbm>>) dst(%arg6 : memref<16x1024xf32, #tpu.memory_space<vmem>>)
    %parallel_loop3A_80 = arith.constant 0 : i32
    %parallel_loop3A_81 = arith.constant 16 : i32
    %parallel_loop3A_82 = arith.constant 1 : i32
    scf.for %parallel_loop3A_304 = %parallel_loop3A_80 to %parallel_loop3A_81 step %parallel_loop3A_82  : i32 {
      %parallel_loop3A_305 = arith.constant 0 : i32
      %parallel_loop3A_306 = arith.constant 64 : i32
      %parallel_loop3A_307 = arith.constant 1 : i32
      scf.for %parallel_loop3A_308 = %parallel_loop3A_305 to %parallel_loop3A_306 step %parallel_loop3A_307  : i32 {
        %parallel_loop3A_309 = arith.constant 16 : i32
        %parallel_loop3A_310 = arith.muli %parallel_loop3A_308, %parallel_loop3A_309 : i32
        %parallel_loop3A_311 = arith.constant 16 : i32
        %parallel_loop3A_312 = arith.muli %parallel_loop3A_308, %parallel_loop3A_311 : i32
        %parallel_loop3A_313 = arith.index_cast %parallel_loop3A_304 : i32 to index
        %parallel_loop3A_314 = arith.index_cast %parallel_loop3A_312 : i32 to index
        %parallel_loop3A_315 = tpu.vector_load %arg7[%parallel_loop3A_313, %parallel_loop3A_314] {strides = array<i32>} : memref<16x1024xf32, #tpu.memory_space<vmem>>, vector<1x16xf32>,
        %parallel_loop3A_316 = vector.shape_cast %parallel_loop3A_315 : vector<1x16xf32> to vector<16xf32>
        %parallel_loop3A_317 = arith.index_cast %parallel_loop3A_304 : i32 to index
        %parallel_loop3A_318 = arith.index_cast %parallel_loop3A_310 : i32 to index
        %parallel_loop3A_319 = tpu.vector_load %arg6[%parallel_loop3A_317, %parallel_loop3A_318] {strides = array<i32>} : memref<16x1024xf32, #tpu.memory_space<vmem>>, vector<1x16xf32>,
        %parallel_loop3A_320 = vector.shape_cast %parallel_loop3A_319 : vector<1x16xf32> to vector<16xf32>
        %parallel_loop3A_321 = vector.shape_cast %parallel_loop3A_316 : vector<16xf32> to vector<1x16xf32>
        tpu.vector_store %arg6[%parallel_loop3A_317, %parallel_loop3A_318], %parallel_loop3A_321 {add = true, strides = array<i32>} : memref<16x1024xf32, #tpu.memory_space<vmem>>, vector<1x16xf32>,
      } {sc.loop_unroll_factor = 8 : i64, sc.parallel_access}
    } {sc.loop_unroll_factor = 1 : i64, sc.parallel_access}
    %add3A_83 = arith.constant 0 : i32
    %add3A_84 = arith.addi %mul3A_6, %add3A_83 : i32
    %dma_start3A_85 = arith.constant 1 : i32
    %dma_start3A_86 = arith.constant 0 : i32
    %dma_start3A_87 = tpu.memref_slice %arg4[%dma_start3A_85, %add3A_84, %dma_start3A_86] : memref<4x1024x1024xf32, #tpu.memory_space<hbm>> -> memref<1x16x1024xf32, #tpu.memory_space<hbm>>
    %dma_start3A_88 = tpu.memref_squeeze %dma_start3A_87 : memref<1x16x1024xf32, #tpu.memory_space<hbm>> -> memref<16x1024xf32, #tpu.memory_space<hbm>>
    %dma_start3A_89 = arith.constant 0 : i32
    %dma_start3A_90 = tpu.memref_slice %arg4[%dma_start3A_85, %add3A_84, %dma_start3A_89] : memref<4x1024x1024xf32, #tpu.memory_space<hbm>> -> memref<1x16x1024xf32, #tpu.memory_space<hbm>>
    %dma_start3A_91 = tpu.memref_squeeze %dma_start3A_90 : memref<1x16x1024xf32, #tpu.memory_space<hbm>> -> memref<16x1024xf32, #tpu.memory_space<hbm>>
    tpu.enqueue_dma source(%arg6 : memref<16x1024xf32, #tpu.memory_space<vmem>>) target(%dma_start3A_91 : memref<16x1024xf32, #tpu.memory_space<hbm>>) target_semaphore(%arg14 : memref<!tpu.dma_semaphore, #tpu.memory_space<semaphore_mem>>)
    %dma_wait3A_92 = arith.constant 1 : i32
    %dma_wait3A_93 = arith.constant 0 : i32
    %dma_wait3A_94 = tpu.memref_slice %arg4[%dma_wait3A_92, %add3A_84, %dma_wait3A_93] : memref<4x1024x1024xf32, #tpu.memory_space<hbm>> -> memref<1x16x1024xf32, #tpu.memory_space<hbm>>
    %dma_wait3A_95 = tpu.memref_squeeze %dma_wait3A_94 : memref<1x16x1024xf32, #tpu.memory_space<hbm>> -> memref<16x1024xf32, #tpu.memory_space<hbm>>
    %dma_wait3A_96 = arith.constant 0 : i32
    %dma_wait3A_97 = tpu.memref_slice %arg4[%dma_wait3A_92, %add3A_84, %dma_wait3A_96] : memref<4x1024x1024xf32, #tpu.memory_space<hbm>> -> memref<1x16x1024xf32, #tpu.memory_space<hbm>>
    %dma_wait3A_98 = tpu.memref_squeeze %dma_wait3A_97 : memref<1x16x1024xf32, #tpu.memory_space<hbm>> -> memref<16x1024xf32, #tpu.memory_space<hbm>>
    tpu.wait_dma2 semaphore(%arg14 : memref<!tpu.dma_semaphore, #tpu.memory_space<semaphore_mem>>) src(%arg6 : memref<16x1024xf32, #tpu.memory_space<vmem>>) dst(%dma_wait3A_98 : memref<16x1024xf32, #tpu.memory_space<hbm>>)
    %add3A_99 = arith.constant 0 : i32
    %add3A_100 = arith.addi %add3A_4, %add3A_99 : i32
    %dma_start3A_101 = arith.constant 3 : i32
    %dma_start3A_102 = arith.constant 0 : i32
    %dma_start3A_103 = tpu.memref_slice %arg2[%dma_start3A_101, %add3A_100, %dma_start3A_102] : memref<4x4096x1024xf32, #tpu.memory_space<hbm>> -> memref<1x16x1024xf32, #tpu.memory_space<hbm>>
    %dma_start3A_104 = tpu.memref_squeeze %dma_start3A_103 : memref<1x16x1024xf32, #tpu.memory_space<hbm>> -> memref<16x1024xf32, #tpu.memory_space<hbm>>
    %dma_start3A_105 = arith.constant 0 : i32
    %dma_start3A_106 = tpu.memref_slice %arg2[%dma_start3A_101, %add3A_100, %dma_start3A_105] : memref<4x4096x1024xf32, #tpu.memory_space<hbm>> -> memref<1x16x1024xf32, #tpu.memory_space<hbm>>
    %dma_start3A_107 = tpu.memref_squeeze %dma_start3A_106 : memref<1x16x1024xf32, #tpu.memory_space<hbm>> -> memref<16x1024xf32, #tpu.memory_space<hbm>>
    tpu.enqueue_dma source(%dma_start3A_107 : memref<16x1024xf32, #tpu.memory_space<hbm>>) target(%arg6 : memref<16x1024xf32, #tpu.memory_space<vmem>>) target_semaphore(%arg10 : memref<!tpu.dma_semaphore, #tpu.memory_space<semaphore_mem>>)
    %dma_wait3A_108 = arith.constant 2 : i32
    %dma_wait3A_109 = arith.constant 0 : i32
    %dma_wait3A_110 = tpu.memref_slice %arg2[%dma_wait3A_108, %add3A_65, %dma_wait3A_109] : memref<4x4096x1024xf32, #tpu.memory_space<hbm>> -> memref<1x16x1024xf32, #tpu.memory_space<hbm>>
    %dma_wait3A_111 = tpu.memref_squeeze %dma_wait3A_110 : memref<1x16x1024xf32, #tpu.memory_space<hbm>> -> memref<16x1024xf32, #tpu.memory_space<hbm>>
    %dma_wait3A_112 = arith.constant 0 : i32
    %dma_wait3A_113 = tpu.memref_slice %arg2[%dma_wait3A_108, %add3A_65, %dma_wait3A_112] : memref<4x4096x1024xf32, #tpu.memory_space<hbm>> -> memref<1x16x1024xf32, #tpu.memory_space<hbm>>
    %dma_wait3A_114 = tpu.memref_squeeze %dma_wait3A_113 : memref<1x16x1024xf32, #tpu.memory_space<hbm>> -> memref<16x1024xf32, #tpu.memory_space<hbm>>
    tpu.wait_dma2 semaphore(%arg9 : memref<!tpu.dma_semaphore, #tpu.memory_space<semaphore_mem>>) src(%dma_wait3A_114 : memref<16x1024xf32, #tpu.memory_space<hbm>>) dst(%arg5 : memref<16x1024xf32, #tpu.memory_space<vmem>>)
    %parallel_loop3A_115 = arith.constant 0 : i32
    %parallel_loop3A_116 = arith.constant 16 : i32
    %parallel_loop3A_117 = arith.constant 1 : i32
    scf.for %parallel_loop3A_304 = %parallel_loop3A_115 to %parallel_loop3A_116 step %parallel_loop3A_117  : i32 {
      %parallel_loop3A_305 = arith.constant 0 : i32
      %parallel_loop3A_306 = arith.constant 64 : i32
      %parallel_loop3A_307 = arith.constant 1 : i32
      scf.for %parallel_loop3A_308 = %parallel_loop3A_305 to %parallel_loop3A_306 step %parallel_loop3A_307  : i32 {
        %parallel_loop3A_309 = arith.constant 16 : i32
        %parallel_loop3A_310 = arith.muli %parallel_loop3A_308, %parallel_loop3A_309 : i32
        %parallel_loop3A_311 = arith.constant 16 : i32
        %parallel_loop3A_312 = arith.muli %parallel_loop3A_308, %parallel_loop3A_311 : i32
        %parallel_loop3A_313 = arith.index_cast %parallel_loop3A_304 : i32 to index
        %parallel_loop3A_314 = arith.index_cast %parallel_loop3A_312 : i32 to index
        %parallel_loop3A_315 = tpu.vector_load %arg7[%parallel_loop3A_313, %parallel_loop3A_314] {strides = array<i32>} : memref<16x1024xf32, #tpu.memory_space<vmem>>, vector<1x16xf32>,
        %parallel_loop3A_316 = vector.shape_cast %parallel_loop3A_315 : vector<1x16xf32> to vector<16xf32>
        %parallel_loop3A_317 = arith.index_cast %parallel_loop3A_304 : i32 to index
        %parallel_loop3A_318 = arith.index_cast %parallel_loop3A_310 : i32 to index
        %parallel_loop3A_319 = tpu.vector_load %arg5[%parallel_loop3A_317, %parallel_loop3A_318] {strides = array<i32>} : memref<16x1024xf32, #tpu.memory_space<vmem>>, vector<1x16xf32>,
        %parallel_loop3A_320 = vector.shape_cast %parallel_loop3A_319 : vector<1x16xf32> to vector<16xf32>
        %parallel_loop3A_321 = vector.shape_cast %parallel_loop3A_316 : vector<16xf32> to vector<1x16xf32>
        tpu.vector_store %arg5[%parallel_loop3A_317, %parallel_loop3A_318], %parallel_loop3A_321 {add = true, strides = array<i32>} : memref<16x1024xf32, #tpu.memory_space<vmem>>, vector<1x16xf32>,
      } {sc.loop_unroll_factor = 8 : i64, sc.parallel_access}
    } {sc.loop_unroll_factor = 1 : i64, sc.parallel_access}
    %add3A_118 = arith.constant 0 : i32
    %add3A_119 = arith.addi %mul3A_6, %add3A_118 : i32
    %dma_start3A_120 = arith.constant 2 : i32
    %dma_start3A_121 = arith.constant 0 : i32
    %dma_start3A_122 = tpu.memref_slice %arg4[%dma_start3A_120, %add3A_119, %dma_start3A_121] : memref<4x1024x1024xf32, #tpu.memory_space<hbm>> -> memref<1x16x1024xf32, #tpu.memory_space<hbm>>
    %dma_start3A_123 = tpu.memref_squeeze %dma_start3A_122 : memref<1x16x1024xf32, #tpu.memory_space<hbm>> -> memref<16x1024xf32, #tpu.memory_space<hbm>>
    %dma_start3A_124 = arith.constant 0 : i32
    %dma_start3A_125 = tpu.memref_slice %arg4[%dma_start3A_120, %add3A_119, %dma_start3A_124] : memref<4x1024x1024xf32, #tpu.memory_space<hbm>> -> memref<1x16x1024xf32, #tpu.memory_space<hbm>>
    %dma_start3A_126 = tpu.memref_squeeze %dma_start3A_125 : memref<1x16x1024xf32, #tpu.memory_space<hbm>> -> memref<16x1024xf32, #tpu.memory_space<hbm>>
    tpu.enqueue_dma source(%arg5 : memref<16x1024xf32, #tpu.memory_space<vmem>>) target(%dma_start3A_126 : memref<16x1024xf32, #tpu.memory_space<hbm>>) target_semaphore(%arg13 : memref<!tpu.dma_semaphore, #tpu.memory_space<semaphore_mem>>)
    %dma_wait3A_127 = arith.constant 2 : i32
    %dma_wait3A_128 = arith.constant 0 : i32
    %dma_wait3A_129 = tpu.memref_slice %arg4[%dma_wait3A_127, %add3A_119, %dma_wait3A_128] : memref<4x1024x1024xf32, #tpu.memory_space<hbm>> -> memref<1x16x1024xf32, #tpu.memory_space<hbm>>
    %dma_wait3A_130 = tpu.memref_squeeze %dma_wait3A_129 : memref<1x16x1024xf32, #tpu.memory_space<hbm>> -> memref<16x1024xf32, #tpu.memory_space<hbm>>
    %dma_wait3A_131 = arith.constant 0 : i32
    %dma_wait3A_132 = tpu.memref_slice %arg4[%dma_wait3A_127, %add3A_119, %dma_wait3A_131] : memref<4x1024x1024xf32, #tpu.memory_space<hbm>> -> memref<1x16x1024xf32, #tpu.memory_space<hbm>>
    %dma_wait3A_133 = tpu.memref_squeeze %dma_wait3A_132 : memref<1x16x1024xf32, #tpu.memory_space<hbm>> -> memref<16x1024xf32, #tpu.memory_space<hbm>>
    tpu.wait_dma2 semaphore(%arg13 : memref<!tpu.dma_semaphore, #tpu.memory_space<semaphore_mem>>) src(%arg5 : memref<16x1024xf32, #tpu.memory_space<vmem>>) dst(%dma_wait3A_133 : memref<16x1024xf32, #tpu.memory_space<hbm>>)
    %add3A_134 = arith.constant 16 : i32
    %add3A_135 = arith.addi %add3A_4, %add3A_134 : i32
    %dma_start3A_136 = arith.constant 0 : i32
    %dma_start3A_137 = arith.constant 0 : i32
    %dma_start3A_138 = tpu.memref_slice %arg2[%dma_start3A_136, %add3A_135, %dma_start3A_137] : memref<4x4096x1024xf32, #tpu.memory_space<hbm>> -> memref<1x16x1024xf32, #tpu.memory_space<hbm>>
    %dma_start3A_139 = tpu.memref_squeeze %dma_start3A_138 : memref<1x16x1024xf32, #tpu.memory_space<hbm>> -> memref<16x1024xf32, #tpu.memory_space<hbm>>
    %dma_start3A_140 = arith.constant 0 : i32
    %dma_start3A_141 = tpu.memref_slice %arg2[%dma_start3A_136, %add3A_135, %dma_start3A_140] : memref<4x4096x1024xf32, #tpu.memory_space<hbm>> -> memref<1x16x1024xf32, #tpu.memory_space<hbm>>
    %dma_start3A_142 = tpu.memref_squeeze %dma_start3A_141 : memref<1x16x1024xf32, #tpu.memory_space<hbm>> -> memref<16x1024xf32, #tpu.memory_space<hbm>>
    tpu.enqueue_dma source(%dma_start3A_142 : memref<16x1024xf32, #tpu.memory_space<hbm>>) target(%arg5 : memref<16x1024xf32, #tpu.memory_space<vmem>>) target_semaphore(%arg9 : memref<!tpu.dma_semaphore, #tpu.memory_space<semaphore_mem>>)
    %dma_wait3A_143 = arith.constant 3 : i32
    %dma_wait3A_144 = arith.constant 0 : i32
    %dma_wait3A_145 = tpu.memref_slice %arg2[%dma_wait3A_143, %add3A_100, %dma_wait3A_144] : memref<4x4096x1024xf32, #tpu.memory_space<hbm>> -> memref<1x16x1024xf32, #tpu.memory_space<hbm>>
    %dma_wait3A_146 = tpu.memref_squeeze %dma_wait3A_145 : memref<1x16x1024xf32, #tpu.memory_space<hbm>> -> memref<16x1024xf32, #tpu.memory_space<hbm>>
    %dma_wait3A_147 = arith.constant 0 : i32
    %dma_wait3A_148 = tpu.memref_slice %arg2[%dma_wait3A_143, %add3A_100, %dma_wait3A_147] : memref<4x4096x1024xf32, #tpu.memory_space<hbm>> -> memref<1x16x1024xf32, #tpu.memory_space<hbm>>
    %dma_wait3A_149 = tpu.memref_squeeze %dma_wait3A_148 : memref<1x16x1024xf32, #tpu.memory_space<hbm>> -> memref<16x1024xf32, #tpu.memory_space<hbm>>
    tpu.wait_dma2 semaphore(%arg10 : memref<!tpu.dma_semaphore, #tpu.memory_space<semaphore_mem>>) src(%dma_wait3A_149 : memref<16x1024xf32, #tpu.memory_space<hbm>>) dst(%arg6 : memref<16x1024xf32, #tpu.memory_space<vmem>>)
    %parallel_loop3A_150 = arith.constant 0 : i32
    %parallel_loop3A_151 = arith.constant 16 : i32
    %parallel_loop3A_152 = arith.constant 1 : i32
    scf.for %parallel_loop3A_304 = %parallel_loop3A_150 to %parallel_loop3A_151 step %parallel_loop3A_152  : i32 {
      %parallel_loop3A_305 = arith.constant 0 : i32
      %parallel_loop3A_306 = arith.constant 64 : i32
      %parallel_loop3A_307 = arith.constant 1 : i32
      scf.for %parallel_loop3A_308 = %parallel_loop3A_305 to %parallel_loop3A_306 step %parallel_loop3A_307  : i32 {
        %parallel_loop3A_309 = arith.constant 16 : i32
        %parallel_loop3A_310 = arith.muli %parallel_loop3A_308, %parallel_loop3A_309 : i32
        %parallel_loop3A_311 = arith.constant 16 : i32
        %parallel_loop3A_312 = arith.muli %parallel_loop3A_308, %parallel_loop3A_311 : i32
        %parallel_loop3A_313 = arith.index_cast %parallel_loop3A_304 : i32 to index
        %parallel_loop3A_314 = arith.index_cast %parallel_loop3A_312 : i32 to index
        %parallel_loop3A_315 = tpu.vector_load %arg7[%parallel_loop3A_313, %parallel_loop3A_314] {strides = array<i32>} : memref<16x1024xf32, #tpu.memory_space<vmem>>, vector<1x16xf32>,
        %parallel_loop3A_316 = vector.shape_cast %parallel_loop3A_315 : vector<1x16xf32> to vector<16xf32>
        %parallel_loop3A_317 = arith.index_cast %parallel_loop3A_304 : i32 to index
        %parallel_loop3A_318 = arith.index_cast %parallel_loop3A_310 : i32 to index
        %parallel_loop3A_319 = tpu.vector_load %arg6[%parallel_loop3A_317, %parallel_loop3A_318] {strides = array<i32>} : memref<16x1024xf32, #tpu.memory_space<vmem>>, vector<1x16xf32>,
        %parallel_loop3A_320 = vector.shape_cast %parallel_loop3A_319 : vector<1x16xf32> to vector<16xf32>
        %parallel_loop3A_321 = vector.shape_cast %parallel_loop3A_316 : vector<16xf32> to vector<1x16xf32>
        tpu.vector_store %arg6[%parallel_loop3A_317, %parallel_loop3A_318], %parallel_loop3A_321 {add = true, strides = array<i32>} : memref<16x1024xf32, #tpu.memory_space<vmem>>, vector<1x16xf32>,
      } {sc.loop_unroll_factor = 8 : i64, sc.parallel_access}
    } {sc.loop_unroll_factor = 1 : i64, sc.parallel_access}
    %add3A_153 = arith.constant 0 : i32
    %add3A_154 = arith.addi %mul3A_6, %add3A_153 : i32
    %dma_start3A_155 = arith.constant 3 : i32
    %dma_start3A_156 = arith.constant 0 : i32
    %dma_start3A_157 = tpu.memref_slice %arg4[%dma_start3A_155, %add3A_154, %dma_start3A_156] : memref<4x1024x1024xf32, #tpu.memory_space<hbm>> -> memref<1x16x1024xf32, #tpu.memory_space<hbm>>
    %dma_start3A_158 = tpu.memref_squeeze %dma_start3A_157 : memref<1x16x1024xf32, #tpu.memory_space<hbm>> -> memref<16x1024xf32, #tpu.memory_space<hbm>>
    %dma_start3A_159 = arith.constant 0 : i32
    %dma_start3A_160 = tpu.memref_slice %arg4[%dma_start3A_155, %add3A_154, %dma_start3A_159] : memref<4x1024x1024xf32, #tpu.memory_space<hbm>> -> memref<1x16x1024xf32, #tpu.memory_space<hbm>>
    %dma_start3A_161 = tpu.memref_squeeze %dma_start3A_160 : memref<1x16x1024xf32, #tpu.memory_space<hbm>> -> memref<16x1024xf32, #tpu.memory_space<hbm>>
    tpu.enqueue_dma source(%arg6 : memref<16x1024xf32, #tpu.memory_space<vmem>>) target(%dma_start3A_161 : memref<16x1024xf32, #tpu.memory_space<hbm>>) target_semaphore(%arg14 : memref<!tpu.dma_semaphore, #tpu.memory_space<semaphore_mem>>)
    %dma_wait3A_162 = arith.constant 3 : i32
    %dma_wait3A_163 = arith.constant 0 : i32
    %dma_wait3A_164 = tpu.memref_slice %arg4[%dma_wait3A_162, %add3A_154, %dma_wait3A_163] : memref<4x1024x1024xf32, #tpu.memory_space<hbm>> -> memref<1x16x1024xf32, #tpu.memory_space<hbm>>
    %dma_wait3A_165 = tpu.memref_squeeze %dma_wait3A_164 : memref<1x16x1024xf32, #tpu.memory_space<hbm>> -> memref<16x1024xf32, #tpu.memory_space<hbm>>
    %dma_wait3A_166 = arith.constant 0 : i32
    %dma_wait3A_167 = tpu.memref_slice %arg4[%dma_wait3A_162, %add3A_154, %dma_wait3A_166] : memref<4x1024x1024xf32, #tpu.memory_space<hbm>> -> memref<1x16x1024xf32, #tpu.memory_space<hbm>>
    %dma_wait3A_168 = tpu.memref_squeeze %dma_wait3A_167 : memref<1x16x1024xf32, #tpu.memory_space<hbm>> -> memref<16x1024xf32, #tpu.memory_space<hbm>>
    tpu.wait_dma2 semaphore(%arg14 : memref<!tpu.dma_semaphore, #tpu.memory_space<semaphore_mem>>) src(%arg6 : memref<16x1024xf32, #tpu.memory_space<vmem>>) dst(%dma_wait3A_168 : memref<16x1024xf32, #tpu.memory_space<hbm>>)
    %add3A_169 = arith.constant 16 : i32
    %add3A_170 = arith.addi %add3A_4, %add3A_169 : i32
    %dma_start3A_171 = arith.constant 1 : i32
    %dma_start3A_172 = arith.constant 0 : i32
    %dma_start3A_173 = tpu.memref_slice %arg2[%dma_start3A_171, %add3A_170, %dma_start3A_172] : memref<4x4096x1024xf32, #tpu.memory_space<hbm>> -> memref<1x16x1024xf32, #tpu.memory_space<hbm>>
    %dma_start3A_174 = tpu.memref_squeeze %dma_start3A_173 : memref<1x16x1024xf32, #tpu.memory_space<hbm>> -> memref<16x1024xf32, #tpu.memory_space<hbm>>
    %dma_start3A_175 = arith.constant 0 : i32
    %dma_start3A_176 = tpu.memref_slice %arg2[%dma_start3A_171, %add3A_170, %dma_start3A_175] : memref<4x4096x1024xf32, #tpu.memory_space<hbm>> -> memref<1x16x1024xf32, #tpu.memory_space<hbm>>
    %dma_start3A_177 = tpu.memref_squeeze %dma_start3A_176 : memref<1x16x1024xf32, #tpu.memory_space<hbm>> -> memref<16x1024xf32, #tpu.memory_space<hbm>>
    tpu.enqueue_dma source(%dma_start3A_177 : memref<16x1024xf32, #tpu.memory_space<hbm>>) target(%arg6 : memref<16x1024xf32, #tpu.memory_space<vmem>>) target_semaphore(%arg10 : memref<!tpu.dma_semaphore, #tpu.memory_space<semaphore_mem>>)
    %dma_wait3A_178 = arith.constant 0 : i32
    %dma_wait3A_179 = arith.constant 0 : i32
    %dma_wait3A_180 = tpu.memref_slice %arg2[%dma_wait3A_178, %add3A_135, %dma_wait3A_179] : memref<4x4096x1024xf32, #tpu.memory_space<hbm>> -> memref<1x16x1024xf32, #tpu.memory_space<hbm>>
    %dma_wait3A_181 = tpu.memref_squeeze %dma_wait3A_180 : memref<1x16x1024xf32, #tpu.memory_space<hbm>> -> memref<16x1024xf32, #tpu.memory_space<hbm>>
    %dma_wait3A_182 = arith.constant 0 : i32
    %dma_wait3A_183 = tpu.memref_slice %arg2[%dma_wait3A_178, %add3A_135, %dma_wait3A_182] : memref<4x4096x1024xf32, #tpu.memory_space<hbm>> -> memref<1x16x1024xf32, #tpu.memory_space<hbm>>
    %dma_wait3A_184 = tpu.memref_squeeze %dma_wait3A_183 : memref<1x16x1024xf32, #tpu.memory_space<hbm>> -> memref<16x1024xf32, #tpu.memory_space<hbm>>
    tpu.wait_dma2 semaphore(%arg9 : memref<!tpu.dma_semaphore, #tpu.memory_space<semaphore_mem>>) src(%dma_wait3A_184 : memref<16x1024xf32, #tpu.memory_space<hbm>>) dst(%arg5 : memref<16x1024xf32, #tpu.memory_space<vmem>>)
    %dma_wait3A_185 = arith.constant 0 : i32
    %dma_wait3A_186 = tpu.memref_slice %arg3[%add3A_41, %dma_wait3A_185] : memref<4096x1024xf32, #tpu.memory_space<hbm>> -> memref<16x1024xf32, #tpu.memory_space<hbm>>
    %dma_wait3A_187 = arith.constant 0 : i32
    %dma_wait3A_188 = tpu.memref_slice %arg3[%add3A_41, %dma_wait3A_187] : memref<4096x1024xf32, #tpu.memory_space<hbm>> -> memref<16x1024xf32, #tpu.memory_space<hbm>>
    tpu.wait_dma2 semaphore(%arg12 : memref<!tpu.dma_semaphore, #tpu.memory_space<semaphore_mem>>) src(%dma_wait3A_188 : memref<16x1024xf32, #tpu.memory_space<hbm>>) dst(%arg8 : memref<16x1024xf32, #tpu.memory_space<vmem>>)
    %parallel_loop3A_189 = arith.constant 0 : i32
    %parallel_loop3A_190 = arith.constant 16 : i32
    %parallel_loop3A_191 = arith.constant 1 : i32
    scf.for %parallel_loop3A_304 = %parallel_loop3A_189 to %parallel_loop3A_190 step %parallel_loop3A_191  : i32 {
      %parallel_loop3A_305 = arith.constant 0 : i32
      %parallel_loop3A_306 = arith.constant 64 : i32
      %parallel_loop3A_307 = arith.constant 1 : i32
      scf.for %parallel_loop3A_308 = %parallel_loop3A_305 to %parallel_loop3A_306 step %parallel_loop3A_307  : i32 {
        %parallel_loop3A_309 = arith.constant 16 : i32
        %parallel_loop3A_310 = arith.muli %parallel_loop3A_308, %parallel_loop3A_309 : i32
        %parallel_loop3A_311 = arith.constant 16 : i32
        %parallel_loop3A_312 = arith.muli %parallel_loop3A_308, %parallel_loop3A_311 : i32
        %parallel_loop3A_313 = arith.index_cast %parallel_loop3A_304 : i32 to index
        %parallel_loop3A_314 = arith.index_cast %parallel_loop3A_312 : i32 to index
        %parallel_loop3A_315 = tpu.vector_load %arg8[%parallel_loop3A_313, %parallel_loop3A_314] {strides = array<i32>} : memref<16x1024xf32, #tpu.memory_space<vmem>>, vector<1x16xf32>,
        %parallel_loop3A_316 = vector.shape_cast %parallel_loop3A_315 : vector<1x16xf32> to vector<16xf32>
        %parallel_loop3A_317 = arith.index_cast %parallel_loop3A_304 : i32 to index
        %parallel_loop3A_318 = arith.index_cast %parallel_loop3A_310 : i32 to index
        %parallel_loop3A_319 = tpu.vector_load %arg5[%parallel_loop3A_317, %parallel_loop3A_318] {strides = array<i32>} : memref<16x1024xf32, #tpu.memory_space<vmem>>, vector<1x16xf32>,
        %parallel_loop3A_320 = vector.shape_cast %parallel_loop3A_319 : vector<1x16xf32> to vector<16xf32>
        %parallel_loop3A_321 = vector.shape_cast %parallel_loop3A_316 : vector<16xf32> to vector<1x16xf32>
        tpu.vector_store %arg5[%parallel_loop3A_317, %parallel_loop3A_318], %parallel_loop3A_321 {add = true, strides = array<i32>} : memref<16x1024xf32, #tpu.memory_space<vmem>>, vector<1x16xf32>,
      } {sc.loop_unroll_factor = 8 : i64, sc.parallel_access}
    } {sc.loop_unroll_factor = 1 : i64, sc.parallel_access}
    %add3A_192 = arith.constant 16 : i32
    %add3A_193 = arith.addi %mul3A_6, %add3A_192 : i32
    %dma_start3A_194 = arith.constant 0 : i32
    %dma_start3A_195 = arith.constant 0 : i32
    %dma_start3A_196 = tpu.memref_slice %arg4[%dma_start3A_194, %add3A_193, %dma_start3A_195] : memref<4x1024x1024xf32, #tpu.memory_space<hbm>> -> memref<1x16x1024xf32, #tpu.memory_space<hbm>>
    %dma_start3A_197 = tpu.memref_squeeze %dma_start3A_196 : memref<1x16x1024xf32, #tpu.memory_space<hbm>> -> memref<16x1024xf32, #tpu.memory_space<hbm>>
    %dma_start3A_198 = arith.constant 0 : i32
    %dma_start3A_199 = tpu.memref_slice %arg4[%dma_start3A_194, %add3A_193, %dma_start3A_198] : memref<4x1024x1024xf32, #tpu.memory_space<hbm>> -> memref<1x16x1024xf32, #tpu.memory_space<hbm>>
    %dma_start3A_200 = tpu.memref_squeeze %dma_start3A_199 : memref<1x16x1024xf32, #tpu.memory_space<hbm>> -> memref<16x1024xf32, #tpu.memory_space<hbm>>
    tpu.enqueue_dma source(%arg5 : memref<16x1024xf32, #tpu.memory_space<vmem>>) target(%dma_start3A_200 : memref<16x1024xf32, #tpu.memory_space<hbm>>) target_semaphore(%arg13 : memref<!tpu.dma_semaphore, #tpu.memory_space<semaphore_mem>>)
    %dma_wait3A_201 = arith.constant 0 : i32
    %dma_wait3A_202 = arith.constant 0 : i32
    %dma_wait3A_203 = tpu.memref_slice %arg4[%dma_wait3A_201, %add3A_193, %dma_wait3A_202] : memref<4x1024x1024xf32, #tpu.memory_space<hbm>> -> memref<1x16x1024xf32, #tpu.memory_space<hbm>>
    %dma_wait3A_204 = tpu.memref_squeeze %dma_wait3A_203 : memref<1x16x1024xf32, #tpu.memory_space<hbm>> -> memref<16x1024xf32, #tpu.memory_space<hbm>>
    %dma_wait3A_205 = arith.constant 0 : i32
    %dma_wait3A_206 = tpu.memref_slice %arg4[%dma_wait3A_201, %add3A_193, %dma_wait3A_205] : memref<4x1024x1024xf32, #tpu.memory_space<hbm>> -> memref<1x16x1024xf32, #tpu.memory_space<hbm>>
    %dma_wait3A_207 = tpu.memref_squeeze %dma_wait3A_206 : memref<1x16x1024xf32, #tpu.memory_space<hbm>> -> memref<16x1024xf32, #tpu.memory_space<hbm>>
    tpu.wait_dma2 semaphore(%arg13 : memref<!tpu.dma_semaphore, #tpu.memory_space<semaphore_mem>>) src(%arg5 : memref<16x1024xf32, #tpu.memory_space<vmem>>) dst(%dma_wait3A_207 : memref<16x1024xf32, #tpu.memory_space<hbm>>)
    %add3A_208 = arith.constant 16 : i32
    %add3A_209 = arith.addi %add3A_4, %add3A_208 : i32
    %dma_start3A_210 = arith.constant 2 : i32
    %dma_start3A_211 = arith.constant 0 : i32
    %dma_start3A_212 = tpu.memref_slice %arg2[%dma_start3A_210, %add3A_209, %dma_start3A_211] : memref<4x4096x1024xf32, #tpu.memory_space<hbm>> -> memref<1x16x1024xf32, #tpu.memory_space<hbm>>
    %dma_start3A_213 = tpu.memref_squeeze %dma_start3A_212 : memref<1x16x1024xf32, #tpu.memory_space<hbm>> -> memref<16x1024xf32, #tpu.memory_space<hbm>>
    %dma_start3A_214 = arith.constant 0 : i32
    %dma_start3A_215 = tpu.memref_slice %arg2[%dma_start3A_210, %add3A_209, %dma_start3A_214] : memref<4x4096x1024xf32, #tpu.memory_space<hbm>> -> memref<1x16x1024xf32, #tpu.memory_space<hbm>>
    %dma_start3A_216 = tpu.memref_squeeze %dma_start3A_215 : memref<1x16x1024xf32, #tpu.memory_space<hbm>> -> memref<16x1024xf32, #tpu.memory_space<hbm>>
    tpu.enqueue_dma source(%dma_start3A_216 : memref<16x1024xf32, #tpu.memory_space<hbm>>) target(%arg5 : memref<16x1024xf32, #tpu.memory_space<vmem>>) target_semaphore(%arg9 : memref<!tpu.dma_semaphore, #tpu.memory_space<semaphore_mem>>)
    %dma_wait3A_217 = arith.constant 1 : i32
    %dma_wait3A_218 = arith.constant 0 : i32
    %dma_wait3A_219 = tpu.memref_slice %arg2[%dma_wait3A_217, %add3A_170, %dma_wait3A_218] : memref<4x4096x1024xf32, #tpu.memory_space<hbm>> -> memref<1x16x1024xf32, #tpu.memory_space<hbm>>
    %dma_wait3A_220 = tpu.memref_squeeze %dma_wait3A_219 : memref<1x16x1024xf32, #tpu.memory_space<hbm>> -> memref<16x1024xf32, #tpu.memory_space<hbm>>
    %dma_wait3A_221 = arith.constant 0 : i32
    %dma_wait3A_222 = tpu.memref_slice %arg2[%dma_wait3A_217, %add3A_170, %dma_wait3A_221] : memref<4x4096x1024xf32, #tpu.memory_space<hbm>> -> memref<1x16x1024xf32, #tpu.memory_space<hbm>>
    %dma_wait3A_223 = tpu.memref_squeeze %dma_wait3A_222 : memref<1x16x1024xf32, #tpu.memory_space<hbm>> -> memref<16x1024xf32, #tpu.memory_space<hbm>>
    tpu.wait_dma2 semaphore(%arg10 : memref<!tpu.dma_semaphore, #tpu.memory_space<semaphore_mem>>) src(%dma_wait3A_223 : memref<16x1024xf32, #tpu.memory_space<hbm>>) dst(%arg6 : memref<16x1024xf32, #tpu.memory_space<vmem>>)
    %parallel_loop3A_224 = arith.constant 0 : i32
    %parallel_loop3A_225 = arith.constant 16 : i32
    %parallel_loop3A_226 = arith.constant 1 : i32
    scf.for %parallel_loop3A_304 = %parallel_loop3A_224 to %parallel_loop3A_225 step %parallel_loop3A_226  : i32 {
      %parallel_loop3A_305 = arith.constant 0 : i32
      %parallel_loop3A_306 = arith.constant 64 : i32
      %parallel_loop3A_307 = arith.constant 1 : i32
      scf.for %parallel_loop3A_308 = %parallel_loop3A_305 to %parallel_loop3A_306 step %parallel_loop3A_307  : i32 {
        %parallel_loop3A_309 = arith.constant 16 : i32
        %parallel_loop3A_310 = arith.muli %parallel_loop3A_308, %parallel_loop3A_309 : i32
        %parallel_loop3A_311 = arith.constant 16 : i32
        %parallel_loop3A_312 = arith.muli %parallel_loop3A_308, %parallel_loop3A_311 : i32
        %parallel_loop3A_313 = arith.index_cast %parallel_loop3A_304 : i32 to index
        %parallel_loop3A_314 = arith.index_cast %parallel_loop3A_312 : i32 to index
        %parallel_loop3A_315 = tpu.vector_load %arg8[%parallel_loop3A_313, %parallel_loop3A_314] {strides = array<i32>} : memref<16x1024xf32, #tpu.memory_space<vmem>>, vector<1x16xf32>,
        %parallel_loop3A_316 = vector.shape_cast %parallel_loop3A_315 : vector<1x16xf32> to vector<16xf32>
        %parallel_loop3A_317 = arith.index_cast %parallel_loop3A_304 : i32 to index
        %parallel_loop3A_318 = arith.index_cast %parallel_loop3A_310 : i32 to index
        %parallel_loop3A_319 = tpu.vector_load %arg6[%parallel_loop3A_317, %parallel_loop3A_318] {strides = array<i32>} : memref<16x1024xf32, #tpu.memory_space<vmem>>, vector<1x16xf32>,
        %parallel_loop3A_320 = vector.shape_cast %parallel_loop3A_319 : vector<1x16xf32> to vector<16xf32>
        %parallel_loop3A_321 = vector.shape_cast %parallel_loop3A_316 : vector<16xf32> to vector<1x16xf32>
        tpu.vector_store %arg6[%parallel_loop3A_317, %parallel_loop3A_318], %parallel_loop3A_321 {add = true, strides = array<i32>} : memref<16x1024xf32, #tpu.memory_space<vmem>>, vector<1x16xf32>,
      } {sc.loop_unroll_factor = 8 : i64, sc.parallel_access}
    } {sc.loop_unroll_factor = 1 : i64, sc.parallel_access}
    %add3A_227 = arith.constant 16 : i32
    %add3A_228 = arith.addi %mul3A_6, %add3A_227 : i32
    %dma_start3A_229 = arith.constant 1 : i32
    %dma_start3A_230 = arith.constant 0 : i32
    %dma_start3A_231 = tpu.memref_slice %arg4[%dma_start3A_229, %add3A_228, %dma_start3A_230] : memref<4x1024x1024xf32, #tpu.memory_space<hbm>> -> memref<1x16x1024xf32, #tpu.memory_space<hbm>>
    %dma_start3A_232 = tpu.memref_squeeze %dma_start3A_231 : memref<1x16x1024xf32, #tpu.memory_space<hbm>> -> memref<16x1024xf32, #tpu.memory_space<hbm>>
    %dma_start3A_233 = arith.constant 0 : i32
    %dma_start3A_234 = tpu.memref_slice %arg4[%dma_start3A_229, %add3A_228, %dma_start3A_233] : memref<4x1024x1024xf32, #tpu.memory_space<hbm>> -> memref<1x16x1024xf32, #tpu.memory_space<hbm>>
    %dma_start3A_235 = tpu.memref_squeeze %dma_start3A_234 : memref<1x16x1024xf32, #tpu.memory_space<hbm>> -> memref<16x1024xf32, #tpu.memory_space<hbm>>
    tpu.enqueue_dma source(%arg6 : memref<16x1024xf32, #tpu.memory_space<vmem>>) target(%dma_start3A_235 : memref<16x1024xf32, #tpu.memory_space<hbm>>) target_semaphore(%arg14 : memref<!tpu.dma_semaphore, #tpu.memory_space<semaphore_mem>>)
    %dma_wait3A_236 = arith.constant 1 : i32
    %dma_wait3A_237 = arith.constant 0 : i32
    %dma_wait3A_238 = tpu.memref_slice %arg4[%dma_wait3A_236, %add3A_228, %dma_wait3A_237] : memref<4x1024x1024xf32, #tpu.memory_space<hbm>> -> memref<1x16x1024xf32, #tpu.memory_space<hbm>>
    %dma_wait3A_239 = tpu.memref_squeeze %dma_wait3A_238 : memref<1x16x1024xf32, #tpu.memory_space<hbm>> -> memref<16x1024xf32, #tpu.memory_space<hbm>>
    %dma_wait3A_240 = arith.constant 0 : i32
    %dma_wait3A_241 = tpu.memref_slice %arg4[%dma_wait3A_236, %add3A_228, %dma_wait3A_240] : memref<4x1024x1024xf32, #tpu.memory_space<hbm>> -> memref<1x16x1024xf32, #tpu.memory_space<hbm>>
    %dma_wait3A_242 = tpu.memref_squeeze %dma_wait3A_241 : memref<1x16x1024xf32, #tpu.memory_space<hbm>> -> memref<16x1024xf32, #tpu.memory_space<hbm>>
    tpu.wait_dma2 semaphore(%arg14 : memref<!tpu.dma_semaphore, #tpu.memory_space<semaphore_mem>>) src(%arg6 : memref<16x1024xf32, #tpu.memory_space<vmem>>) dst(%dma_wait3A_242 : memref<16x1024xf32, #tpu.memory_space<hbm>>)
    %add3A_243 = arith.constant 16 : i32
    %add3A_244 = arith.addi %add3A_4, %add3A_243 : i32
    %dma_start3A_245 = arith.constant 3 : i32
    %dma_start3A_246 = arith.constant 0 : i32
    %dma_start3A_247 = tpu.memref_slice %arg2[%dma_start3A_245, %add3A_244, %dma_start3A_246] : memref<4x4096x1024xf32, #tpu.memory_space<hbm>> -> memref<1x16x1024xf32, #tpu.memory_space<hbm>>
    %dma_start3A_248 = tpu.memref_squeeze %dma_start3A_247 : memref<1x16x1024xf32, #tpu.memory_space<hbm>> -> memref<16x1024xf32, #tpu.memory_space<hbm>>
    %dma_start3A_249 = arith.constant 0 : i32
    %dma_start3A_250 = tpu.memref_slice %arg2[%dma_start3A_245, %add3A_244, %dma_start3A_249] : memref<4x4096x1024xf32, #tpu.memory_space<hbm>> -> memref<1x16x1024xf32, #tpu.memory_space<hbm>>
    %dma_start3A_251 = tpu.memref_squeeze %dma_start3A_250 : memref<1x16x1024xf32, #tpu.memory_space<hbm>> -> memref<16x1024xf32, #tpu.memory_space<hbm>>
    tpu.enqueue_dma source(%dma_start3A_251 : memref<16x1024xf32, #tpu.memory_space<hbm>>) target(%arg6 : memref<16x1024xf32, #tpu.memory_space<vmem>>) target_semaphore(%arg10 : memref<!tpu.dma_semaphore, #tpu.memory_space<semaphore_mem>>)
    %dma_wait3A_252 = arith.constant 2 : i32
    %dma_wait3A_253 = arith.constant 0 : i32
    %dma_wait3A_254 = tpu.memref_slice %arg2[%dma_wait3A_252, %add3A_209, %dma_wait3A_253] : memref<4x4096x1024xf32, #tpu.memory_space<hbm>> -> memref<1x16x1024xf32, #tpu.memory_space<hbm>>
    %dma_wait3A_255 = tpu.memref_squeeze %dma_wait3A_254 : memref<1x16x1024xf32, #tpu.memory_space<hbm>> -> memref<16x1024xf32, #tpu.memory_space<hbm>>
    %dma_wait3A_256 = arith.constant 0 : i32
    %dma_wait3A_257 = tpu.memref_slice %arg2[%dma_wait3A_252, %add3A_209, %dma_wait3A_256] : memref<4x4096x1024xf32, #tpu.memory_space<hbm>> -> memref<1x16x1024xf32, #tpu.memory_space<hbm>>
    %dma_wait3A_258 = tpu.memref_squeeze %dma_wait3A_257 : memref<1x16x1024xf32, #tpu.memory_space<hbm>> -> memref<16x1024xf32, #tpu.memory_space<hbm>>
    tpu.wait_dma2 semaphore(%arg9 : memref<!tpu.dma_semaphore, #tpu.memory_space<semaphore_mem>>) src(%dma_wait3A_258 : memref<16x1024xf32, #tpu.memory_space<hbm>>) dst(%arg5 : memref<16x1024xf32, #tpu.memory_space<vmem>>)
    %parallel_loop3A_259 = arith.constant 0 : i32
    %parallel_loop3A_260 = arith.constant 16 : i32
    %parallel_loop3A_261 = arith.constant 1 : i32
    scf.for %parallel_loop3A_304 = %parallel_loop3A_259 to %parallel_loop3A_260 step %parallel_loop3A_261  : i32 {
      %parallel_loop3A_305 = arith.constant 0 : i32
      %parallel_loop3A_306 = arith.constant 64 : i32
      %parallel_loop3A_307 = arith.constant 1 : i32
      scf.for %parallel_loop3A_308 = %parallel_loop3A_305 to %parallel_loop3A_306 step %parallel_loop3A_307  : i32 {
        %parallel_loop3A_309 = arith.constant 16 : i32
        %parallel_loop3A_310 = arith.muli %parallel_loop3A_308, %parallel_loop3A_309 : i32
        %parallel_loop3A_311 = arith.constant 16 : i32
        %parallel_loop3A_312 = arith.muli %parallel_loop3A_308, %parallel_loop3A_311 : i32
        %parallel_loop3A_313 = arith.index_cast %parallel_loop3A_304 : i32 to index
        %parallel_loop3A_314 = arith.index_cast %parallel_loop3A_312 : i32 to index
        %parallel_loop3A_315 = tpu.vector_load %arg8[%parallel_loop3A_313, %parallel_loop3A_314] {strides = array<i32>} : memref<16x1024xf32, #tpu.memory_space<vmem>>, vector<1x16xf32>,
        %parallel_loop3A_316 = vector.shape_cast %parallel_loop3A_315 : vector<1x16xf32> to vector<16xf32>
        %parallel_loop3A_317 = arith.index_cast %parallel_loop3A_304 : i32 to index
        %parallel_loop3A_318 = arith.index_cast %parallel_loop3A_310 : i32 to index
        %parallel_loop3A_319 = tpu.vector_load %arg5[%parallel_loop3A_317, %parallel_loop3A_318] {strides = array<i32>} : memref<16x1024xf32, #tpu.memory_space<vmem>>, vector<1x16xf32>,
        %parallel_loop3A_320 = vector.shape_cast %parallel_loop3A_319 : vector<1x16xf32> to vector<16xf32>
        %parallel_loop3A_321 = vector.shape_cast %parallel_loop3A_316 : vector<16xf32> to vector<1x16xf32>
        tpu.vector_store %arg5[%parallel_loop3A_317, %parallel_loop3A_318], %parallel_loop3A_321 {add = true, strides = array<i32>} : memref<16x1024xf32, #tpu.memory_space<vmem>>, vector<1x16xf32>,
      } {sc.loop_unroll_factor = 8 : i64, sc.parallel_access}
    } {sc.loop_unroll_factor = 1 : i64, sc.parallel_access}
    %add3A_262 = arith.constant 16 : i32
    %add3A_263 = arith.addi %mul3A_6, %add3A_262 : i32
    %dma_start3A_264 = arith.constant 2 : i32
    %dma_start3A_265 = arith.constant 0 : i32
    %dma_start3A_266 = tpu.memref_slice %arg4[%dma_start3A_264, %add3A_263, %dma_start3A_265] : memref<4x1024x1024xf32, #tpu.memory_space<hbm>> -> memref<1x16x1024xf32, #tpu.memory_space<hbm>>
    %dma_start3A_267 = tpu.memref_squeeze %dma_start3A_266 : memref<1x16x1024xf32, #tpu.memory_space<hbm>> -> memref<16x1024xf32, #tpu.memory_space<hbm>>
    %dma_start3A_268 = arith.constant 0 : i32
    %dma_start3A_269 = tpu.memref_slice %arg4[%dma_start3A_264, %add3A_263, %dma_start3A_268] : memref<4x1024x1024xf32, #tpu.memory_space<hbm>> -> memref<1x16x1024xf32, #tpu.memory_space<hbm>>
    %dma_start3A_270 = tpu.memref_squeeze %dma_start3A_269 : memref<1x16x1024xf32, #tpu.memory_space<hbm>> -> memref<16x1024xf32, #tpu.memory_space<hbm>>
    tpu.enqueue_dma source(%arg5 : memref<16x1024xf32, #tpu.memory_space<vmem>>) target(%dma_start3A_270 : memref<16x1024xf32, #tpu.memory_space<hbm>>) target_semaphore(%arg13 : memref<!tpu.dma_semaphore, #tpu.memory_space<semaphore_mem>>)
    %dma_wait3A_271 = arith.constant 3 : i32
    %dma_wait3A_272 = arith.constant 0 : i32
    %dma_wait3A_273 = tpu.memref_slice %arg2[%dma_wait3A_271, %add3A_244, %dma_wait3A_272] : memref<4x4096x1024xf32, #tpu.memory_space<hbm>> -> memref<1x16x1024xf32, #tpu.memory_space<hbm>>
    %dma_wait3A_274 = tpu.memref_squeeze %dma_wait3A_273 : memref<1x16x1024xf32, #tpu.memory_space<hbm>> -> memref<16x1024xf32, #tpu.memory_space<hbm>>
    %dma_wait3A_275 = arith.constant 0 : i32
    %dma_wait3A_276 = tpu.memref_slice %arg2[%dma_wait3A_271, %add3A_244, %dma_wait3A_275] : memref<4x4096x1024xf32, #tpu.memory_space<hbm>> -> memref<1x16x1024xf32, #tpu.memory_space<hbm>>
    %dma_wait3A_277 = tpu.memref_squeeze %dma_wait3A_276 : memref<1x16x1024xf32, #tpu.memory_space<hbm>> -> memref<16x1024xf32, #tpu.memory_space<hbm>>
    tpu.wait_dma2 semaphore(%arg10 : memref<!tpu.dma_semaphore, #tpu.memory_space<semaphore_mem>>) src(%dma_wait3A_277 : memref<16x1024xf32, #tpu.memory_space<hbm>>) dst(%arg6 : memref<16x1024xf32, #tpu.memory_space<vmem>>)
    %parallel_loop3A_278 = arith.constant 0 : i32
    %parallel_loop3A_279 = arith.constant 16 : i32
    %parallel_loop3A_280 = arith.constant 1 : i32
    scf.for %parallel_loop3A_304 = %parallel_loop3A_278 to %parallel_loop3A_279 step %parallel_loop3A_280  : i32 {
      %parallel_loop3A_305 = arith.constant 0 : i32
      %parallel_loop3A_306 = arith.constant 64 : i32
      %parallel_loop3A_307 = arith.constant 1 : i32
      scf.for %parallel_loop3A_308 = %parallel_loop3A_305 to %parallel_loop3A_306 step %parallel_loop3A_307  : i32 {
        %parallel_loop3A_309 = arith.constant 16 : i32
        %parallel_loop3A_310 = arith.muli %parallel_loop3A_308, %parallel_loop3A_309 : i32
        %parallel_loop3A_311 = arith.constant 16 : i32
        %parallel_loop3A_312 = arith.muli %parallel_loop3A_308, %parallel_loop3A_311 : i32
        %parallel_loop3A_313 = arith.index_cast %parallel_loop3A_304 : i32 to index
        %parallel_loop3A_314 = arith.index_cast %parallel_loop3A_312 : i32 to index
        %parallel_loop3A_315 = tpu.vector_load %arg8[%parallel_loop3A_313, %parallel_loop3A_314] {strides = array<i32>} : memref<16x1024xf32, #tpu.memory_space<vmem>>, vector<1x16xf32>,
        %parallel_loop3A_316 = vector.shape_cast %parallel_loop3A_315 : vector<1x16xf32> to vector<16xf32>
        %parallel_loop3A_317 = arith.index_cast %parallel_loop3A_304 : i32 to index
        %parallel_loop3A_318 = arith.index_cast %parallel_loop3A_310 : i32 to index
        %parallel_loop3A_319 = tpu.vector_load %arg6[%parallel_loop3A_317, %parallel_loop3A_318] {strides = array<i32>} : memref<16x1024xf32, #tpu.memory_space<vmem>>, vector<1x16xf32>,
        %parallel_loop3A_320 = vector.shape_cast %parallel_loop3A_319 : vector<1x16xf32> to vector<16xf32>
        %parallel_loop3A_321 = vector.shape_cast %parallel_loop3A_316 : vector<16xf32> to vector<1x16xf32>
        tpu.vector_store %arg6[%parallel_loop3A_317, %parallel_loop3A_318], %parallel_loop3A_321 {add = true, strides = array<i32>} : memref<16x1024xf32, #tpu.memory_space<vmem>>, vector<1x16xf32>,
      } {sc.loop_unroll_factor = 8 : i64, sc.parallel_access}
    } {sc.loop_unroll_factor = 1 : i64, sc.parallel_access}
    %add3A_281 = arith.constant 16 : i32
    %add3A_282 = arith.addi %mul3A_6, %add3A_281 : i32
    %dma_start3A_283 = arith.constant 3 : i32
    %dma_start3A_284 = arith.constant 0 : i32
    %dma_start3A_285 = tpu.memref_slice %arg4[%dma_start3A_283, %add3A_282, %dma_start3A_284] : memref<4x1024x1024xf32, #tpu.memory_space<hbm>> -> memref<1x16x1024xf32, #tpu.memory_space<hbm>>
    %dma_start3A_286 = tpu.memref_squeeze %dma_start3A_285 : memref<1x16x1024xf32, #tpu.memory_space<hbm>> -> memref<16x1024xf32, #tpu.memory_space<hbm>>
    %dma_start3A_287 = arith.constant 0 : i32
    %dma_start3A_288 = tpu.memref_slice %arg4[%dma_start3A_283, %add3A_282, %dma_start3A_287] : memref<4x1024x1024xf32, #tpu.memory_space<hbm>> -> memref<1x16x1024xf32, #tpu.memory_space<hbm>>
    %dma_start3A_289 = tpu.memref_squeeze %dma_start3A_288 : memref<1x16x1024xf32, #tpu.memory_space<hbm>> -> memref<16x1024xf32, #tpu.memory_space<hbm>>
    tpu.enqueue_dma source(%arg6 : memref<16x1024xf32, #tpu.memory_space<vmem>>) target(%dma_start3A_289 : memref<16x1024xf32, #tpu.memory_space<hbm>>) target_semaphore(%arg14 : memref<!tpu.dma_semaphore, #tpu.memory_space<semaphore_mem>>)
    %dma_wait3A_290 = arith.constant 2 : i32
    %dma_wait3A_291 = arith.constant 0 : i32
    %dma_wait3A_292 = tpu.memref_slice %arg4[%dma_wait3A_290, %add3A_263, %dma_wait3A_291] : memref<4x1024x1024xf32, #tpu.memory_space<hbm>> -> memref<1x16x1024xf32, #tpu.memory_space<hbm>>
    %dma_wait3A_293 = tpu.memref_squeeze %dma_wait3A_292 : memref<1x16x1024xf32, #tpu.memory_space<hbm>> -> memref<16x1024xf32, #tpu.memory_space<hbm>>
    %dma_wait3A_294 = arith.constant 0 : i32
    %dma_wait3A_295 = tpu.memref_slice %arg4[%dma_wait3A_290, %add3A_263, %dma_wait3A_294] : memref<4x1024x1024xf32, #tpu.memory_space<hbm>> -> memref<1x16x1024xf32, #tpu.memory_space<hbm>>
    %dma_wait3A_296 = tpu.memref_squeeze %dma_wait3A_295 : memref<1x16x1024xf32, #tpu.memory_space<hbm>> -> memref<16x1024xf32, #tpu.memory_space<hbm>>
    tpu.wait_dma2 semaphore(%arg13 : memref<!tpu.dma_semaphore, #tpu.memory_space<semaphore_mem>>) src(%arg5 : memref<16x1024xf32, #tpu.memory_space<vmem>>) dst(%dma_wait3A_296 : memref<16x1024xf32, #tpu.memory_space<hbm>>)
    %dma_wait3A_297 = arith.constant 3 : i32
    %dma_wait3A_298 = arith.constant 0 : i32
    %dma_wait3A_299 = tpu.memref_slice %arg4[%dma_wait3A_297, %add3A_282, %dma_wait3A_298] : memref<4x1024x1024xf32, #tpu.memory_space<hbm>> -> memref<1x16x1024xf32, #tpu.memory_space<hbm>>
    %dma_wait3A_300 = tpu.memref_squeeze %dma_wait3A_299 : memref<1x16x1024xf32, #tpu.memory_space<hbm>> -> memref<16x1024xf32, #tpu.memory_space<hbm>>
    %dma_wait3A_301 = arith.constant 0 : i32
    %dma_wait3A_302 = tpu.memref_slice %arg4[%dma_wait3A_297, %add3A_282, %dma_wait3A_301] : memref<4x1024x1024xf32, #tpu.memory_space<hbm>> -> memref<1x16x1024xf32, #tpu.memory_space<hbm>>
    %dma_wait3A_303 = tpu.memref_squeeze %dma_wait3A_302 : memref<1x16x1024xf32, #tpu.memory_space<hbm>> -> memref<16x1024xf32, #tpu.memory_space<hbm>>
    tpu.wait_dma2 semaphore(%arg14 : memref<!tpu.dma_semaphore, #tpu.memory_space<semaphore_mem>>) src(%arg6 : memref<16x1024xf32, #tpu.memory_space<vmem>>) dst(%dma_wait3A_303 : memref<16x1024xf32, #tpu.memory_space<hbm>>)
    return
  }
}

module attributes {stable_mosaic.version = 14 : i64} {
  func.func @_tc_body(%arg0: i32, %arg1: i32, %arg2: memref<1x1536x1024xf32, #tpu.memory_space<vmem>>, %arg3: memref<1536x1024xf32, #tpu.memory_space<vmem>>, %arg4: memref<1x1536x1024xf32, #tpu.memory_space<vmem>>) attributes {dimension_semantics = [#tpu.dimension_semantics<arbitrary>, #tpu.dimension_semantics<arbitrary>], iteration_bounds = array<i64: 2, 4>, scalar_prefetch = 0 : i64, scratch_operands = 0 : i64, tpu.core_type = #tpu.core_type<tc>, window_params = [{transform_indices = @transform_0, window_bounds = array<i64: 1, 1536, 1024>}, {transform_indices = @transform_1, window_bounds = array<i64: 1536, 1024>}, {transform_indices = @transform_2, window_bounds = array<i64: 1, 1536, 1024>}]} {
    %get3A = arith.constant 0 : index
    %get3A_0 = arith.constant 0 : index
    %get3A_1 = arith.constant 0 : index
    %get3A_2 = vector.load %arg2[%get3A, %get3A_0, %get3A_1] : memref<1x1536x1024xf32, #tpu.memory_space<vmem>>, vector<1x1536x1024xf32>
    %get3A_3 = arith.constant 0 : index
    %get3A_4 = arith.constant 0 : index
    %get3A_5 = vector.load %arg3[%get3A_3, %get3A_4] : memref<1536x1024xf32, #tpu.memory_space<vmem>>, vector<1536x1024xf32>
    %broadcast_in_dim3A = vector.shape_cast %get3A_5 : vector<1536x1024xf32> to vector<1x1536x1024xf32>
    %add3A = arith.addf %get3A_2, %broadcast_in_dim3A : vector<1x1536x1024xf32>
    %swap3A = arith.constant 0 : index
    %swap3A_6 = arith.constant 0 : index
    %swap3A_7 = arith.constant 0 : index
    %swap3A_8 = vector.load %arg4[%swap3A, %swap3A_6, %swap3A_7] : memref<1x1536x1024xf32, #tpu.memory_space<vmem>>, vector<1x1536x1024xf32>
    tpu.vector_store %arg4[%swap3A, %swap3A_6, %swap3A_7], %add3A {strides = array<i32>} : memref<1x1536x1024xf32, #tpu.memory_space<vmem>>, vector<1x1536x1024xf32>,
    return
  }
  func.func @transform_0(%arg0: i32, %arg1: i32) -> (i32, i32, i32) {
    %c0_i32 = arith.constant 0 : i32
    %c0_i32_0 = arith.constant 0 : i32
    return %arg1, %arg0, %c0_i32 : i32, i32, i32
  }
  func.func @transform_1(%arg0: i32, %arg1: i32) -> (i32, i32) {
    %c0_i32 = arith.constant 0 : i32
    %c0_i32_0 = arith.constant 0 : i32
    return %arg0, %c0_i32 : i32, i32
  }
  func.func @transform_2(%arg0: i32, %arg1: i32) -> (i32, i32, i32) {
    %c0_i32 = arith.constant 0 : i32
    %c0_i32_0 = arith.constant 0 : i32
    return %arg1, %arg0, %c0_i32 : i32, i32, i32
  }
}

</mosaic_0001>

<sc_bundles>
// kernel: kernel.4.cloned.1.call-start
scs
__scs_entry_jumppad:
0x0: {  	(pc) =	sbr.rel $0x88, $3  }
0x1: {  	(tag) =	ssettag $0x0;
	lr =	simm.s32 $0x1  }
0x2: {  	[smem:$0x3F9F] =	sst lr;
	_ =	strace $0xD0000000  }
0x3: {  	_ = 	snop  }
0x4: {  	_ = 	snop  }
0x5: {  	_ = 	snop  }
0x6: {  	_ = 	snop  }
0x7: {  	_ = 	snop  }
__scs_overlays_trampoline_lowered:
0x8: {  	[smem:$0x3FAE] =	sst s0  }
0x9: {  	[smem:$0x3FAF] =	sst s1  }
0xa: {  	[smem:$0x3FB0] =	sst s2  }
0xb: {  	[smem:$0x3FB1] =	sst s3  }
0xc: {  	[smem:$0x3FB2] =	sst s4  }
0xd: {  	[smem:$0x3FB3] =	sst s5  }
0xe: {  	[smem:$0x3FB4] =	sst s6  }
0xf: {  	[smem:$0x3FB5] =	sst s7  }
0x10: {  	[smem:$0x3FB6] =	sst s8  }
0x11: {  	[smem:$0x3FB7] =	sst s9;
	s0 =	simm.s32 @!p0 $0x0  }
0x12: {  	s1 =	sld [smem:$0x3F9D];
	s0 =	simm.s32 @p0 $0x1  }
0x13: {  	[smem:$0x3FB8] =	sst s0;
	s0 =	simm.s32 @!p1 $0x0  }
0x14: {  	s2 =	sld [smem:$0x3F9C];
	s0 =	simm.s32 @p1 $0x1  }
0x15: {  	[smem:$0x3FB9] =	sst s0;
	s0 =	simm.s32 @!p2 $0x0  }
0x16: {  	s3 =	sld [smem:$0x3FDB];
	s0 =	simm.s32 @p2 $0x1  }
0x17: {  	s4 =	simm.s32 $0x1BF5;
	[smem:$0x3FBB] =	sst s0  }
0x18: {  	s0 =	sld [smem:$0x3F9E];
	_ =	swait.ge [sflag:s4], $0x0  }
0x19: {  	s7 =	sld [smem:$0x3F9F]  }
0x1a: {  	s8 =	sadd.s32 $0xFFFFE003, lr  }
0x1b: {  	s9 =	sadd.s32 $0xFFFFFEF7, lr;
	s5 =	simm.s32 $0xFFFFFFFF;
	p2 =	slt.u32 s8, $0xFFFFF086  }
0x1c: {  	p1 =	slt.u32 s9, $0xF7A;
	s5 =	simm.s32 @!p2 $0x0  }
0x1d: {  	s5 =	simm.s32 @p1 $0x1;
	p0 =	seq.s32 s7, s2  }
0x1e: {  	s7 =	smul.u32 @!p0 $0xF7A, s2;
	p2 =	seq.s32 @!p0 s5, $0x0  }
0x1f: {  	s9 =	smul.u32 $0xF7A, s1;
	s8 =	simm.s32 @!p0 $0x1BF5;
	p2 =	por !p2, p0  }
0x20: {  	[sflag:s8] =	ssyncset.s32 @!p0 $0xFFFFF086;
	s6 =	sadd.s32 @!p0 s3, s7;
	s7 =	simm.s32 @!p0 $0x108  }
0x21: {  	s3 =	sadd.s32 s3, s9;
	s6 =	sadd.s32 @!p0 $0x88, s6;
	s7 =	simm.s32 @p2 $0x1082  }
0x22: {  	[simem:s7], [sflag:s8] =	dma.local @!p0 [hbm:s6], $0xF7A  }
0x23: {  	s9 =	sor.u32 $0xD0000000, s2;
	s6 =	simm.s32 $0x108;
	_ =	swait.ge @!p0 [sflag:s8], $0x0  }
0x24: {  	s3 =	sadd.s32 $0x88, s3;
	s6 =	simm.s32 @!p1 $0x1082;
	[sflag:s4] =	ssyncset.s32 $0xFFFFF086  }
0x25: {  	[simem:s6], [sflag:s4] =	dma.local [hbm:s3], $0xF7A  }
0x26: {  	[smem:$0x3F9F] =	sst s1;
	(tag) =	ssettag s2;
	_ =	strace s9  }
0x27: {  	s1 =	sld [smem:$0x3FAF]  }
0x28: {  	s2 =	sld [smem:$0x3FB0]  }
0x29: {  	s4 =	sld [smem:$0x3FB2]  }
0x2a: {  	p0 =	seq.s32 s5, $0x0;
	s5 =	sld [smem:$0x3FB3]  }
0x2b: {  	s6 =	sld [smem:$0x3FB4]  }
0x2c: {  	s7 =	sld [smem:$0x3FB5]  }
0x2d: {  	s3 =	simm.s32 $0x108;
	s8 =	sld [smem:$0x3FB6]  }
0x2e: {  	s3 =	simm.s32 @!p0 $0x1082;
	s9 =	sld [smem:$0x3FB7]  }
0x2f: {  	lr =	sadd.s32 s0, s3;
	s0 =	sld [smem:$0x3FAE]  }
0x30: {  	s3 =	sld [smem:$0x3FB1]  }
0x31: {  	[smem:$0x3FBA] =	sst s10  }
0x32: {  	s10 =	sld [smem:$0x3FB8];
	_ =	sdelay $0x3  }
0x33: {  	p0 =	seq.s32 s10, $0x1;
	s10 =	sld [smem:$0x3FBA];
	_ =	sdelay $0x3  }
0x34: {  	[smem:$0x3FBA] =	sst s10  }
0x35: {  	s10 =	sld [smem:$0x3FB9];
	_ =	sdelay $0x3  }
0x36: {  	p1 =	seq.s32 s10, $0x1;
	s10 =	sld [smem:$0x3FBA];
	_ =	sdelay $0x3  }
0x37: {  	[smem:$0x3FBA] =	sst s10  }
0x38: {  	s10 =	sld [smem:$0x3FBB]  }
0x39: {  	_ = 	snop;
	(pc) =	sbr.ind lr, $3  }
0x3a: {  	_ = 	snop  }
0x3b: {  	_ = 	snop  }
0x3c: {  	p2 =	seq.s32 s10, $0x1;
	s10 =	sld [smem:$0x3FBA]  }
0x3d: {  	_ =	shalt  }
0x3e: {  	_ =	shalt  }
0x3f: {  	_ =	shalt  }
0x40: {  	_ =	shalt  }
0x41: {  	_ =	shalt  }
0x42: {  	_ =	shalt  }
0x43: {  	_ =	shalt  }
0x44: {  	_ =	shalt  }
0x45: {  	_ =	shalt  }
0x46: {  	_ =	shalt  }
0x47: {  	_ =	shalt  }
0x48: {  	_ =	shalt  }
0x49: {  	_ =	shalt  }
0x4a: {  	_ =	shalt  }
0x4b: {  	_ =	shalt  }
0x4c: {  	_ =	shalt  }
0x4d: {  	_ =	shalt  }
0x4e: {  	_ =	shalt  }
0x4f: {  	_ =	shalt  }
0x50: {  	_ =	shalt  }
0x51: {  	_ =	shalt  }
0x52: {  	_ =	shalt  }
0x53: {  	_ =	shalt  }
0x54: {  	_ =	shalt  }
0x55: {  	_ =	shalt  }
0x56: {  	_ =	shalt  }
0x57: {  	_ =	shalt  }
0x58: {  	_ =	shalt  }
0x59: {  	_ =	shalt  }
0x5a: {  	_ =	shalt  }
0x5b: {  	_ =	shalt  }
0x5c: {  	_ =	shalt  }
0x5d: {  	_ =	shalt  }
0x5e: {  	_ =	shalt  }
0x5f: {  	_ =	shalt  }
0x60: {  	_ =	shalt  }
0x61: {  	_ =	shalt  }
0x62: {  	_ =	shalt  }
0x63: {  	_ =	shalt  }
0x64: {  	_ =	shalt  }
0x65: {  	_ =	shalt  }
0x66: {  	_ =	shalt  }
0x67: {  	_ =	shalt  }
0x68: {  	_ =	shalt  }
0x69: {  	_ =	shalt  }
0x6a: {  	_ =	shalt  }
0x6b: {  	_ =	shalt  }
0x6c: {  	_ =	shalt  }
0x6d: {  	_ =	shalt  }
0x6e: {  	_ =	shalt  }
0x6f: {  	_ =	shalt  }
0x70: {  	_ =	shalt  }
0x71: {  	_ =	shalt  }
0x72: {  	_ =	shalt  }
0x73: {  	_ =	shalt  }
0x74: {  	_ =	shalt  }
0x75: {  	_ =	shalt  }
0x76: {  	_ =	shalt  }
0x77: {  	_ =	shalt  }
0x78: {  	_ =	shalt  }
0x79: {  	_ =	shalt  }
0x7a: {  	_ =	shalt  }
0x7b: {  	_ =	shalt  }
0x7c: {  	_ =	shalt  }
0x7d: {  	_ =	shalt  }
0x7e: {  	_ =	shalt  }
0x7f: {  	_ =	shalt  }
0x80: {  	_ =	shalt  }
0x81: {  	_ =	shalt  }
0x82: {  	_ =	shalt  }
0x83: {  	_ =	shalt  }
0x84: {  	_ =	shalt  }
0x85: {  	_ =	shalt  }
0x86: {  	_ =	shalt  }
0x87: {  	_ =	shalt  }
.Lfunc_end0:
.L_simem_size_0:
called_computation_lowered:
.L_overlay_start_0:
0x88: {  	s2 =	sld [smem:$0x3FD9]  }
0x89: {  	s3 =	sld [smem:$0x3FFE];
	_ =	sdelay $0x1  }
0x8a: {  	s1 =	srdreg.scid  }
0x8b: {  	s0 =	sand.u32 $0x1, s1  }
0x8c: {  	s17 =	sshll.u32 s0, $0xA;
	s2 =	sadd.s32 s3, s2  }
0x8d: {  	s2 =	sadd.s32 s2, s17  }
0x8e: {  	[smem:$0x3FC6] =	sst s2  }
0x8f: {  	_ = 	snop  }
0x90: {  	s2 =	sld [smem:$0x3FC9]  }
0x91: {  	s18 =	sld [smem:$0x3FC8];
	(tm) =	ssettm $0x1  }
0x92: {  	s4 =	sld [smem:$0x3FFB];
	_ =	sdelay $0x3  }
0x93: {  	_ =	strace s4  }
0x94: {  	s4 =	sld [smem:$0x3FFC];
	_ =	sdelay $0x3  }
0x95: {  	_ =	strace s4  }
0x96: {  	s4 =	sld [smem:$0x3FFD];
	_ =	sdelay $0x3  }
0x97: {  	_ =	strace s4  }
0x98: {  	_ =	strace $0x8FFFFFFF  }
0x99: {  	s19 =	sld [smem:$0x3FDB];
	_ =	sdelay $0x1  }
0x9a: {  	s5 =	simm.s32 $_scs_section_size  }
0x9b: {  	s6 =	simm.s32 $_size__tile_overlayer_lowered;
	s7 =	simm.s32 $_tile_overlayer_lowered  }
0x9c: {  	s22 =	simm.s32 $0x1BFF;
	s21 =	sshll.u32 s7, $0x1;
	s4 =	sadd.s32 s5, s19  }
0x9d: {  	s8 =	simm.s32 $0x0;
	s20 =	sshll.u32 s6, $0x1;
	s6 =	sadd.s32 s21, s4  }
0x9e: {  	[timem:s8], [sflag:s22] =	dma.local [hbm:s6], s20  }
0x9f: {  	_ =	swait.ge [sflag:s22], s20  }
0xa0: {  	s5 =	ssub.s32 $0x0, s20;
	[sflag:s22] =	ssyncset.done $0x0  }
0xa1: {  	[sflag:s22] =	ssyncadd.s32 s5;
	_ =	sdelay $0x1  }
0xa2: {  	s23 =	simm.s32 $0x1B8B  }
0xa3: {  	_ =	swait.ge [sflag:s23], $0x1  }
0xa4: {  	[sflag:s23] =	ssyncset.done $0x0  }
0xa5: {  	s25 =	simm.s32 $0x1B8E;
	s24 =	sld [smem:$0x3FFE];
	[sflag:s23] =	ssyncadd.s32 $0xFFFFFFFF  }
0xa6: {  	s26 =	simm.s32 $execute0_lowered;
	[smem:$0x3FD2] =	sst s25  }
0xa7: {  	s6 =	sshll.u32 s26, $0x1;
	_ =	strace $0x80000046;
	[dreg:$0x1] =	wrdreg $0xFFFFFFFF  }
0xa8: {  	s28 =	simm.s32 $_size_execute0_lowered;
	s4 =	sadd.s32 s4, s6;
	[dreg:$0x0] =	wrdreg $0x0  }
0xa9: {  	s6 =	sshll.u32 s28, $0x1;
	[dreg:$0x2] =	wrdreg s4  }
0xaa: {  	[dreg:$0x3] =	wrdreg s6  }
0xab: {  	[dreg:$0x4] =	wrdreg $0xC0  }
0xac: {  	_ =	task [dreg:s8], $0x5FFFF  }
0xad: {  	[dreg:$0x1] =	wrdreg $0xFFFFFFFF  }
0xae: {  	[dreg:$0x0] =	wrdreg $0x60  }
0xaf: {  	[dreg:$0x2] =	wrdreg s2  }
0xb0: {  	[dreg:$0x3] =	wrdreg s18  }
0xb1: {  	[dreg:$0x4] =	wrdreg s24  }
0xb2: {  	[dreg:$0x5] =	wrdreg $0x9  }
0xb3: {  	_ =	task.clear_ibuf [dreg:s8], $0x6FFFF;
	_ =	strace $0x90000046  }
0xb4: {  	s29 =	simm.s32 $0x9;
	_ =	strace $0x80000048  }
0xb5: {  	_ =	swait.ge [sflag:s29], $0x1  }
0xb6: {  	[sflag:s29] =	ssyncadd.s32 $0xFFFFFFFF  }
0xb7: {  	_ =	strace $0x90000048  }
0xb8: {  	_ =	sfence  }
0xb9: {  	s30 =	sld [smem:$0x0];
	_ =	sdelay $0x2  }
0xba: {  	s31 =	sshll.u32 s1, $0xD;
	s1 =	sshrl.u32 s1, $0x2  }
0xbb: {  	s3 =	sand.u32 $0x4000, s31;
	s1 =	sadd.s32 s1, s30  }
0xbc: {  	s0 =	sor.u32 s3, s0;
	s1 =	sshll.u32 s1, $0x11  }
0xbd: {  	s0 =	sor.u32 s1, s0  }
0xbe: {  	s0 =	sadd.s32 $0x8F2B, s0  }
0xbf: {  	[sflag:s0] =	ssyncadd.remote.s32 $0x1  }
0xc0: {  	_ =	sfence.sel $0xFFFF  }
0xc1: {  	[dreg:$0x0] =	wrdreg $0xFFFFFFFF;
	(pc) =	sbr.abs _section_cstart, $3  }
0xc2: {  	[dreg:$0x1] =	wrdreg $0xFFFFFFFF  }
0xc3: {  	_ =	task.clear_ibuf [dreg:s8], $0x2FFFF;
	_ =	strace $0x9FFFFFFF  }
0xc4: {  	(tm) =	ssettm $0x7FFFFFFF  }
0xc5: {  	_ =	shalt  }
tec
execute0_lowered:
.L_overlay_start_1:
0x0: {  	(tag) =	ssettag $0x1  }
0x1: {  	s0 =	rddreg [dreg:$0x0]  }
0x2: {  	s1 =	rddreg [dreg:$0x1]  }
0x3: {  	s3 =	rddreg [dreg:$0x2]  }
0x4: {  	s2 =	srdreg.scid;
	s5 =	stileid.u32;
	s28 =	simm.s32 $0x5  }
0x5: {  	s29 =	simm.s32 $0x2;
	s30 =	simm.s32 $0x6;
	s31 =	simm.s32 $0x4  }
0x6: {  	s4 =	sand.u32 $0x1, s2;
	s2 =	simm.s32 $0x0;
	s5 =	sshll.u32 s5, $0xD  }
0x7: {  	s3 =	sadd.s32 $0x600, s3;
	s6 =	sshll.u32 s4, $0xC;
	s4 =	ssub.s32 $0x2, s4  }
0x8: {  	[smem:$0x7FF] =	sst s2;
	s5 =	sor.u32 s6, s5;
	s22 =	sshrl.u32 s4, $0x1  }
0x9: {  	_ =	strace $0x80000047;
	s13 =	sor.u32 $0x60000, s5;
	s4 =	ssub.s32 s4, s22  }
0xa: {  	s25 =	sadd.s32 s5, s0;
	s20 =	sor.u32 $0x60800, s5;
	s23 =	sadd.s32 s1, s13  }
0xb: {  	s24 =	sadd.s32 s0, s13;
	s7 =	sadd.s32 $0xE0000, s25;
	s1 =	sadd.s32 s1, s20  }
0xc: {  	s26 =	sadd.s32 $0x160000, s25;
	s10 =	sadd.s32 $0x1E0000, s25;
	s12 =	sadd.s32 s0, s20  }
0xd: {  	s13 =	sadd.s32 s3, s13;
	s14 =	sadd.s32 $0xE0800, s25;
	[dreg:$0x4] =	wrdreg s23  }
0xe: {  	s16 =	sadd.s32 $0x160800, s25;
	s18 =	sadd.s32 $0x1E0800, s25;
	[dreg:$0x5] =	wrdreg s24  }
0xf: {  	s20 =	sadd.s32 s3, s20;
	s21 =	smax.u32 s4, $0x1;
	[dreg:$0x6] =	wrdreg s7  }
0x10: {  	s25 =	simm.s32 $0x3;
	s0 =	simm.s32 $0x0;
	[dreg:$0x7] =	wrdreg s1  }
0x11: {  	s7 =	sadd.s32 s3, s5;
	[dreg:$0x8] =	wrdreg s26;
	s23 =	simm.s32 $0x4000  }
0x12: {  	s24 =	simm.s32 $0x1;
	s9 =	sadd.s32 $0x20000, s7;
	s11 =	sadd.s32 $0x40000, s7  }
0x13: {  	s15 =	sadd.s32 $0x800, s7;
	s17 =	sadd.s32 $0x20800, s7;
	s19 =	sadd.s32 $0x40800, s7  }
.LBB2_1:
0x14: {  	s1 =	rddreg [dreg:$0x4];
	s3 =	simm.s32 $0x8000  }
0x15: {  	[tilespmem:s3], [sflag:$0x3] =	stream.linear.gather [hbm4b:s1+s2], $0x4000, $0x38;
	[tilespmem:$0x10000] =	vst v63  }
0x16: {  	s6 =	rddreg [dreg:$0x5]  }
0x17: {  	[tilespmem:s2], [sflag:$0x1] =	stream.linear.gather [hbm4b:s6+s2], $0x4000, $0x38;
	[tilespmem:$0x10000] =	vst v63  }
0x18: {  	s8 =	rddreg [dreg:$0x6]  }
0x19: {  	[tilespmem:s23], [sflag:$0x2] =	stream.linear.gather [hbm4b:s8+s2], $0x4000, $0x38;
	[tilespmem:$0x10000] =	vst v63  }
0x1a: {  	_ =	swait.ge [sflag:s24], $0x4000  }
0x1b: {  	[sflag:s24] =	ssyncset.done $0x0  }
0x1c: {  	[sflag:s24] =	ssyncadd.s32 $0xFFFFC000  }
0x1d: {  	_ =	swait.ge [sflag:s25], $0x4000  }
0x1e: {  	[sflag:s25] =	ssyncset.done $0x0  }
0x1f: {  	s26 =	simm.s32 $0xC000;
	s22 =	rddreg [dreg:$0x7];
	[sflag:s25] =	ssyncadd.s32 $0xFFFFC000  }
0x20: {  	[tilespmem:s26], [sflag:$0x4] =	stream.linear.gather [hbm4b:s22+s2], $0x4000, $0x38;
	[tilespmem:$0x10000] =	vst v63  }
0x21: {  	s1 =	simm.s32 $0x0;
	s22 =	simm.s32 $0x0;
	s26 =	simm.s32 $0x0  }
.LBB2_2:
0x22: {  	s3 =	sand.u32 $0x7, s22  }
0x23: {  	s3 =	sshll.u32 s3, $0x9  }
0x24: {  	s3 =	sshrl.u32 s3, $0x2  }
0x25: {  	v0 =	vmov s3;
	_ =	sdelay $0x2  }
0x26: {  	s4 =	sand.u32 $0x3FFFE000, s1  }
0x27: {  	s6 =	sadd.s32 $0x8040, s4  }
0x28: {  	v1 =	vld.idx.msk [tilespmem:v0+s6+$0x30 ss:$0x1], $0xffff  }
0x29: {  	v2 =	vld.idx.msk [tilespmem:v0+s6+$0xFFFFFFD0 ss:$0x1], $0xffff  }
0x2a: {  	v3 =	vld.idx.msk [tilespmem:v0+s6+$0xFFFFFFE0 ss:$0x1], $0xffff  }
0x2b: {  	v4 =	vld.idx.msk [tilespmem:v0+s6+$0xFFFFFFF0 ss:$0x1], $0xffff  }
0x2c: {  	v5 =	vld.idx.msk [tilespmem:v0+s6+$0x0 ss:$0x1], $0xffff  }
0x2d: {  	v6 =	vld.idx.msk [tilespmem:v0+s6+$0x10 ss:$0x1], $0xffff  }
0x2e: {  	s8 =	sadd.s32 s3, s4;
	v7 =	vld.idx.msk [tilespmem:v0+s6+$0xFFFFFFC0 ss:$0x1], $0xffff  }
0x2f: {  	[tilespmem:s8+$0x70] =	vst.add.f32.msk $0xffff, v1  }
0x30: {  	v1 =	vld.idx.msk [tilespmem:v0+s6+$0x20 ss:$0x1], $0xffff  }
0x31: {  	[tilespmem:s8+$0x10] =	vst.add.f32.msk $0xffff, v2  }
0x32: {  	[tilespmem:s8+$0x20] =	vst.add.f32.msk $0xffff, v3  }
0x33: {  	[tilespmem:s8+$0x30] =	vst.add.f32.msk $0xffff, v4  }
0x34: {  	[tilespmem:s8+$0x40] =	vst.add.f32.msk $0xffff, v5  }
0x35: {  	[tilespmem:s8+$0x50] =	vst.add.f32.msk $0xffff, v6  }
0x36: {  	[tilespmem:s8+$0x0] =	vst.add.f32.msk $0xffff, v7  }
0x37: {  	s5 =	simm.s32 $0x0;
	s6 =	sadd.s32 $0x400, s6;
	[tilespmem:s8+$0x60] =	vst.add.f32.msk $0xffff, v1  }
.LBB2_3:
0x38: {  	v1 =	vld.idx.msk [tilespmem:v0+s6+$0x30 ss:$0x1], $0xffff;
	s5 =	sadd.s32 $0x8, s5  }
0x39: {  	v2 =	vld.idx.msk [tilespmem:v0+s6+$0xFFFFFFD0 ss:$0x1], $0xffff;
	p0 =	slt.u32 s5, $0x38  }
0x3a: {  	v3 =	vld.idx.msk [tilespmem:v0+s6+$0xFFFFFFE0 ss:$0x1], $0xffff  }
0x3b: {  	v4 =	vld.idx.msk [tilespmem:v0+s6+$0xFFFFFFF0 ss:$0x1], $0xffff  }
0x3c: {  	s4 =	sadd.s32 $0x400, s4;
	v5 =	vld.idx.msk [tilespmem:v0+s6+$0x0 ss:$0x1], $0xffff  }
0x3d: {  	s8 =	sadd.s32 s3, s4;
	v6 =	vld.idx.msk [tilespmem:v0+s6+$0x10 ss:$0x1], $0xffff  }
0x3e: {  	[tilespmem:s8+$0x70] =	vst.add.f32.msk $0xffff, v1  }
0x3f: {  	v1 =	vld.idx.msk [tilespmem:v0+s6+$0x20 ss:$0x1], $0xffff  }
0x40: {  	v7 =	vld.idx.msk [tilespmem:v0+s6+$0xFFFFFFC0 ss:$0x1], $0xffff  }
0x41: {  	[tilespmem:s8+$0x10] =	vst.add.f32.msk $0xffff, v2  }
0x42: {  	[tilespmem:s8+$0x20] =	vst.add.f32.msk $0xffff, v3  }
.Ltmp0:
0x43: {  	[tilespmem:s8+$0x30] =	vst.add.f32.msk $0xffff, v4;
	(pc) =	sbr.rel @p0 .LBB2_3-.Ltmp0, $4  }
0x44: {  	[tilespmem:s8+$0x40] =	vst.add.f32.msk $0xffff, v5  }
0x45: {  	[tilespmem:s8+$0x50] =	vst.add.f32.msk $0xffff, v6  }
0x46: {  	[tilespmem:s8+$0x0] =	vst.add.f32.msk $0xffff, v7  }
0x47: {  	s6 =	sadd.s32 $0x400, s6;
	[tilespmem:s8+$0x60] =	vst.add.f32.msk $0xffff, v1  }
0x48: {  	s26 =	sadd.s32 $0x1, s26  }
0x49: {  	p0 =	sne.s32 s26, $0x10  }
.Ltmp1:
0x4a: {  	_ = 	snop;
	(pc) =	sbr.rel @p0 .LBB2_2-.Ltmp1, $2  }
0x4b: {  	_ =	sdelay $0x2  }
0x4c: {  	s22 =	sadd.s32 $0x1, s22;
	s1 =	sadd.s32 $0x400, s1  }
0x4d: {  	s1 =	simm.s32 $0x0  }
0x4e: {  	[hbm4b:s7+s1] =	stream.linear.scatter [tilespmem:s1], [sflag:$0x5], $0x4000, $0x38;
	[tilespmem:$0x10000] =	vst v63  }
0x4f: {  	_ =	swait.ge [sflag:s28], $0x4000  }
0x50: {  	[sflag:s28] =	ssyncset.done $0x0  }
0x51: {  	s3 =	rddreg [dreg:$0x8];
	[sflag:s28] =	ssyncadd.s32 $0xFFFFC000  }
0x52: {  	[tilespmem:s1], [sflag:$0x1] =	stream.linear.gather [hbm4b:s3+s1], $0x4000, $0x38;
	[tilespmem:$0x10000] =	vst v63  }
0x53: {  	_ =	swait.ge [sflag:s29], $0x4000  }
0x54: {  	[sflag:s29] =	ssyncset.done $0x0  }
0x55: {  	s22 =	simm.s32 $0x0;
	s26 =	simm.s32 $0x0;
	[sflag:s29] =	ssyncadd.s32 $0xFFFFC000  }
.LBB2_6:
0x56: {  	s3 =	sand.u32 $0x7, s22  }
0x57: {  	s3 =	sshll.u32 s3, $0x9  }
0x58: {  	s3 =	sshrl.u32 s3, $0x2  }
0x59: {  	v0 =	vmov s3;
	_ =	sdelay $0x2  }
0x5a: {  	s4 =	sand.u32 $0x3FFFE000, s1  }
0x5b: {  	s6 =	sadd.s32 $0x8040, s4  }
0x5c: {  	v1 =	vld.idx.msk [tilespmem:v0+s6+$0x30 ss:$0x1], $0xffff  }
0x5d: {  	v2 =	vld.idx.msk [tilespmem:v0+s6+$0xFFFFFFD0 ss:$0x1], $0xffff  }
0x5e: {  	v3 =	vld.idx.msk [tilespmem:v0+s6+$0xFFFFFFE0 ss:$0x1], $0xffff  }
0x5f: {  	v4 =	vld.idx.msk [tilespmem:v0+s6+$0xFFFFFFF0 ss:$0x1], $0xffff  }
0x60: {  	v5 =	vld.idx.msk [tilespmem:v0+s6+$0x0 ss:$0x1], $0xffff  }
0x61: {  	s4 =	sadd.s32 $0x4000, s4;
	v6 =	vld.idx.msk [tilespmem:v0+s6+$0x10 ss:$0x1], $0xffff  }
0x62: {  	s8 =	sadd.s32 s3, s4;
	v7 =	vld.idx.msk [tilespmem:v0+s6+$0xFFFFFFC0 ss:$0x1], $0xffff  }
0x63: {  	[tilespmem:s8+$0x70] =	vst.add.f32.msk $0xffff, v1  }
0x64: {  	v1 =	vld.idx.msk [tilespmem:v0+s6+$0x20 ss:$0x1], $0xffff  }
0x65: {  	[tilespmem:s8+$0x10] =	vst.add.f32.msk $0xffff, v2  }
0x66: {  	[tilespmem:s8+$0x20] =	vst.add.f32.msk $0xffff, v3  }
0x67: {  	[tilespmem:s8+$0x30] =	vst.add.f32.msk $0xffff, v4  }
0x68: {  	[tilespmem:s8+$0x40] =	vst.add.f32.msk $0xffff, v5  }
0x69: {  	[tilespmem:s8+$0x50] =	vst.add.f32.msk $0xffff, v6  }
0x6a: {  	[tilespmem:s8+$0x0] =	vst.add.f32.msk $0xffff, v7  }
0x6b: {  	s5 =	simm.s32 $0x0;
	s6 =	sadd.s32 $0x400, s6;
	[tilespmem:s8+$0x60] =	vst.add.f32.msk $0xffff, v1  }
.LBB2_7:
0x6c: {  	v1 =	vld.idx.msk [tilespmem:v0+s6+$0x30 ss:$0x1], $0xffff;
	s5 =	sadd.s32 $0x8, s5  }
0x6d: {  	v2 =	vld.idx.msk [tilespmem:v0+s6+$0xFFFFFFD0 ss:$0x1], $0xffff;
	p0 =	slt.u32 s5, $0x38  }
0x6e: {  	v3 =	vld.idx.msk [tilespmem:v0+s6+$0xFFFFFFE0 ss:$0x1], $0xffff  }
0x6f: {  	v4 =	vld.idx.msk [tilespmem:v0+s6+$0xFFFFFFF0 ss:$0x1], $0xffff  }
0x70: {  	s4 =	sadd.s32 $0x400, s4;
	v5 =	vld.idx.msk [tilespmem:v0+s6+$0x0 ss:$0x1], $0xffff  }
0x71: {  	s8 =	sadd.s32 s3, s4;
	v6 =	vld.idx.msk [tilespmem:v0+s6+$0x10 ss:$0x1], $0xffff  }
0x72: {  	[tilespmem:s8+$0x70] =	vst.add.f32.msk $0xffff, v1  }
0x73: {  	v1 =	vld.idx.msk [tilespmem:v0+s6+$0x20 ss:$0x1], $0xffff  }
0x74: {  	v7 =	vld.idx.msk [tilespmem:v0+s6+$0xFFFFFFC0 ss:$0x1], $0xffff  }
0x75: {  	[tilespmem:s8+$0x10] =	vst.add.f32.msk $0xffff, v2  }
0x76: {  	[tilespmem:s8+$0x20] =	vst.add.f32.msk $0xffff, v3  }
.Ltmp2:
0x77: {  	[tilespmem:s8+$0x30] =	vst.add.f32.msk $0xffff, v4;
	(pc) =	sbr.rel @p0 .LBB2_7-.Ltmp2, $4  }
0x78: {  	[tilespmem:s8+$0x40] =	vst.add.f32.msk $0xffff, v5  }
0x79: {  	[tilespmem:s8+$0x50] =	vst.add.f32.msk $0xffff, v6  }
0x7a: {  	[tilespmem:s8+$0x0] =	vst.add.f32.msk $0xffff, v7  }
0x7b: {  	s6 =	sadd.s32 $0x400, s6;
	[tilespmem:s8+$0x60] =	vst.add.f32.msk $0xffff, v1  }
0x7c: {  	s26 =	sadd.s32 $0x1, s26  }
0x7d: {  	p0 =	sne.s32 s26, $0x10  }
.Ltmp3:
0x7e: {  	_ = 	snop;
	(pc) =	sbr.rel @p0 .LBB2_6-.Ltmp3, $2  }
0x7f: {  	_ =	sdelay $0x2  }
0x80: {  	s22 =	sadd.s32 $0x1, s22;
	s1 =	sadd.s32 $0x400, s1  }
0x81: {  	s1 =	simm.s32 $0x0  }
0x82: {  	[hbm4b:s9+s1] =	stream.linear.scatter [tilespmem:s23], [sflag:$0x6], $0x4000, $0x38;
	[tilespmem:$0x10000] =	vst v63  }
0x83: {  	_ =	swait.ge [sflag:s30], $0x4000  }
0x84: {  	[sflag:s30] =	ssyncset.done $0x0  }
0x85: {  	[sflag:s30] =	ssyncadd.s32 $0xFFFFC000  }
0x86: {  	[tilespmem:s23], [sflag:$0x2] =	stream.linear.gather [hbm4b:s10+s1], $0x4000, $0x38;
	[tilespmem:$0x10000] =	vst v63  }
0x87: {  	_ =	swait.ge [sflag:s24], $0x4000  }
0x88: {  	[sflag:s24] =	ssyncset.done $0x0  }
0x89: {  	s22 =	simm.s32 $0x0;
	s26 =	simm.s32 $0x0;
	[sflag:s24] =	ssyncadd.s32 $0xFFFFC000  }
.LBB2_10:
0x8a: {  	s3 =	sand.u32 $0x7, s22  }
0x8b: {  	s3 =	sshll.u32 s3, $0x9  }
0x8c: {  	s3 =	sshrl.u32 s3, $0x2  }
0x8d: {  	v0 =	vmov s3;
	_ =	sdelay $0x2  }
0x8e: {  	s4 =	sand.u32 $0x3FFFE000, s1  }
0x8f: {  	s6 =	sadd.s32 $0x8040, s4  }
0x90: {  	v1 =	vld.idx.msk [tilespmem:v0+s6+$0x30 ss:$0x1], $0xffff  }
0x91: {  	v2 =	vld.idx.msk [tilespmem:v0+s6+$0xFFFFFFD0 ss:$0x1], $0xffff  }
0x92: {  	v3 =	vld.idx.msk [tilespmem:v0+s6+$0xFFFFFFE0 ss:$0x1], $0xffff  }
0x93: {  	v4 =	vld.idx.msk [tilespmem:v0+s6+$0xFFFFFFF0 ss:$0x1], $0xffff  }
0x94: {  	v5 =	vld.idx.msk [tilespmem:v0+s6+$0x0 ss:$0x1], $0xffff  }
0x95: {  	v6 =	vld.idx.msk [tilespmem:v0+s6+$0x10 ss:$0x1], $0xffff  }
0x96: {  	s8 =	sadd.s32 s3, s4;
	v7 =	vld.idx.msk [tilespmem:v0+s6+$0xFFFFFFC0 ss:$0x1], $0xffff  }
0x97: {  	[tilespmem:s8+$0x70] =	vst.add.f32.msk $0xffff, v1  }
0x98: {  	v1 =	vld.idx.msk [tilespmem:v0+s6+$0x20 ss:$0x1], $0xffff  }
0x99: {  	[tilespmem:s8+$0x10] =	vst.add.f32.msk $0xffff, v2  }
0x9a: {  	[tilespmem:s8+$0x20] =	vst.add.f32.msk $0xffff, v3  }
0x9b: {  	[tilespmem:s8+$0x30] =	vst.add.f32.msk $0xffff, v4  }
0x9c: {  	[tilespmem:s8+$0x40] =	vst.add.f32.msk $0xffff, v5  }
0x9d: {  	[tilespmem:s8+$0x50] =	vst.add.f32.msk $0xffff, v6  }
0x9e: {  	[tilespmem:s8+$0x0] =	vst.add.f32.msk $0xffff, v7  }
0x9f: {  	s5 =	simm.s32 $0x0;
	s6 =	sadd.s32 $0x400, s6;
	[tilespmem:s8+$0x60] =	vst.add.f32.msk $0xffff, v1  }
.LBB2_11:
0xa0: {  	v1 =	vld.idx.msk [tilespmem:v0+s6+$0x30 ss:$0x1], $0xffff;
	s5 =	sadd.s32 $0x8, s5  }
0xa1: {  	v2 =	vld.idx.msk [tilespmem:v0+s6+$0xFFFFFFD0 ss:$0x1], $0xffff;
	p0 =	slt.u32 s5, $0x38  }
0xa2: {  	v3 =	vld.idx.msk [tilespmem:v0+s6+$0xFFFFFFE0 ss:$0x1], $0xffff  }
0xa3: {  	v4 =	vld.idx.msk [tilespmem:v0+s6+$0xFFFFFFF0 ss:$0x1], $0xffff  }
0xa4: {  	s4 =	sadd.s32 $0x400, s4;
	v5 =	vld.idx.msk [tilespmem:v0+s6+$0x0 ss:$0x1], $0xffff  }
0xa5: {  	s8 =	sadd.s32 s3, s4;
	v6 =	vld.idx.msk [tilespmem:v0+s6+$0x10 ss:$0x1], $0xffff  }
0xa6: {  	[tilespmem:s8+$0x70] =	vst.add.f32.msk $0xffff, v1  }
0xa7: {  	v1 =	vld.idx.msk [tilespmem:v0+s6+$0x20 ss:$0x1], $0xffff  }
0xa8: {  	v7 =	vld.idx.msk [tilespmem:v0+s6+$0xFFFFFFC0 ss:$0x1], $0xffff  }
0xa9: {  	[tilespmem:s8+$0x10] =	vst.add.f32.msk $0xffff, v2  }
0xaa: {  	[tilespmem:s8+$0x20] =	vst.add.f32.msk $0xffff, v3  }
.Ltmp4:
0xab: {  	[tilespmem:s8+$0x30] =	vst.add.f32.msk $0xffff, v4;
	(pc) =	sbr.rel @p0 .LBB2_11-.Ltmp4, $4  }
0xac: {  	[tilespmem:s8+$0x40] =	vst.add.f32.msk $0xffff, v5  }
0xad: {  	[tilespmem:s8+$0x50] =	vst.add.f32.msk $0xffff, v6  }
0xae: {  	[tilespmem:s8+$0x0] =	vst.add.f32.msk $0xffff, v7  }
0xaf: {  	s6 =	sadd.s32 $0x400, s6;
	[tilespmem:s8+$0x60] =	vst.add.f32.msk $0xffff, v1  }
0xb0: {  	s26 =	sadd.s32 $0x1, s26  }
0xb1: {  	p0 =	sne.s32 s26, $0x10  }
.Ltmp5:
0xb2: {  	_ = 	snop;
	(pc) =	sbr.rel @p0 .LBB2_10-.Ltmp5, $2  }
0xb3: {  	_ =	sdelay $0x2  }
0xb4: {  	s22 =	sadd.s32 $0x1, s22;
	s1 =	sadd.s32 $0x400, s1  }
0xb5: {  	s1 =	simm.s32 $0x0  }
0xb6: {  	[hbm4b:s11+s1] =	stream.linear.scatter [tilespmem:s1], [sflag:$0x5], $0x4000, $0x38;
	[tilespmem:$0x10000] =	vst v63  }
0xb7: {  	_ =	swait.ge [sflag:s28], $0x4000  }
0xb8: {  	[sflag:s28] =	ssyncset.done $0x0  }
0xb9: {  	[sflag:s28] =	ssyncadd.s32 $0xFFFFC000  }
0xba: {  	[tilespmem:s1], [sflag:$0x1] =	stream.linear.gather [hbm4b:s12+s1], $0x4000, $0x38;
	[tilespmem:$0x10000] =	vst v63  }
0xbb: {  	_ =	swait.ge [sflag:s29], $0x4000  }
0xbc: {  	[sflag:s29] =	ssyncset.done $0x0  }
0xbd: {  	s22 =	simm.s32 $0x0;
	s26 =	simm.s32 $0x0;
	[sflag:s29] =	ssyncadd.s32 $0xFFFFC000  }
.LBB2_14:
0xbe: {  	s3 =	sand.u32 $0x7, s22  }
0xbf: {  	s3 =	sshll.u32 s3, $0x9  }
0xc0: {  	s3 =	sshrl.u32 s3, $0x2  }
0xc1: {  	v0 =	vmov s3;
	_ =	sdelay $0x2  }
0xc2: {  	s4 =	sand.u32 $0x3FFFE000, s1  }
0xc3: {  	s6 =	sadd.s32 $0x8040, s4  }
0xc4: {  	v1 =	vld.idx.msk [tilespmem:v0+s6+$0x30 ss:$0x1], $0xffff  }
0xc5: {  	v2 =	vld.idx.msk [tilespmem:v0+s6+$0xFFFFFFD0 ss:$0x1], $0xffff  }
0xc6: {  	v3 =	vld.idx.msk [tilespmem:v0+s6+$0xFFFFFFE0 ss:$0x1], $0xffff  }
0xc7: {  	v4 =	vld.idx.msk [tilespmem:v0+s6+$0xFFFFFFF0 ss:$0x1], $0xffff  }
0xc8: {  	v5 =	vld.idx.msk [tilespmem:v0+s6+$0x0 ss:$0x1], $0xffff  }
0xc9: {  	s4 =	sadd.s32 $0x4000, s4;
	v6 =	vld.idx.msk [tilespmem:v0+s6+$0x10 ss:$0x1], $0xffff  }
0xca: {  	s8 =	sadd.s32 s3, s4;
	v7 =	vld.idx.msk [tilespmem:v0+s6+$0xFFFFFFC0 ss:$0x1], $0xffff  }
0xcb: {  	[tilespmem:s8+$0x70] =	vst.add.f32.msk $0xffff, v1  }
0xcc: {  	v1 =	vld.idx.msk [tilespmem:v0+s6+$0x20 ss:$0x1], $0xffff  }
0xcd: {  	[tilespmem:s8+$0x10] =	vst.add.f32.msk $0xffff, v2  }
0xce: {  	[tilespmem:s8+$0x20] =	vst.add.f32.msk $0xffff, v3  }
0xcf: {  	[tilespmem:s8+$0x30] =	vst.add.f32.msk $0xffff, v4  }
0xd0: {  	[tilespmem:s8+$0x40] =	vst.add.f32.msk $0xffff, v5  }
0xd1: {  	[tilespmem:s8+$0x50] =	vst.add.f32.msk $0xffff, v6  }
0xd2: {  	[tilespmem:s8+$0x0] =	vst.add.f32.msk $0xffff, v7  }
0xd3: {  	s5 =	simm.s32 $0x0;
	s6 =	sadd.s32 $0x400, s6;
	[tilespmem:s8+$0x60] =	vst.add.f32.msk $0xffff, v1  }
.LBB2_15:
0xd4: {  	v1 =	vld.idx.msk [tilespmem:v0+s6+$0x30 ss:$0x1], $0xffff;
	s5 =	sadd.s32 $0x8, s5  }
0xd5: {  	v2 =	vld.idx.msk [tilespmem:v0+s6+$0xFFFFFFD0 ss:$0x1], $0xffff;
	p0 =	slt.u32 s5, $0x38  }
0xd6: {  	v3 =	vld.idx.msk [tilespmem:v0+s6+$0xFFFFFFE0 ss:$0x1], $0xffff  }
0xd7: {  	v4 =	vld.idx.msk [tilespmem:v0+s6+$0xFFFFFFF0 ss:$0x1], $0xffff  }
0xd8: {  	s4 =	sadd.s32 $0x400, s4;
	v5 =	vld.idx.msk [tilespmem:v0+s6+$0x0 ss:$0x1], $0xffff  }
0xd9: {  	s8 =	sadd.s32 s3, s4;
	v6 =	vld.idx.msk [tilespmem:v0+s6+$0x10 ss:$0x1], $0xffff  }
0xda: {  	[tilespmem:s8+$0x70] =	vst.add.f32.msk $0xffff, v1  }
0xdb: {  	v1 =	vld.idx.msk [tilespmem:v0+s6+$0x20 ss:$0x1], $0xffff  }
0xdc: {  	v7 =	vld.idx.msk [tilespmem:v0+s6+$0xFFFFFFC0 ss:$0x1], $0xffff  }
0xdd: {  	[tilespmem:s8+$0x10] =	vst.add.f32.msk $0xffff, v2  }
0xde: {  	[tilespmem:s8+$0x20] =	vst.add.f32.msk $0xffff, v3  }
.Ltmp6:
0xdf: {  	[tilespmem:s8+$0x30] =	vst.add.f32.msk $0xffff, v4;
	(pc) =	sbr.rel @p0 .LBB2_15-.Ltmp6, $4  }
0xe0: {  	[tilespmem:s8+$0x40] =	vst.add.f32.msk $0xffff, v5  }
0xe1: {  	[tilespmem:s8+$0x50] =	vst.add.f32.msk $0xffff, v6  }
0xe2: {  	[tilespmem:s8+$0x0] =	vst.add.f32.msk $0xffff, v7  }
0xe3: {  	s6 =	sadd.s32 $0x400, s6;
	[tilespmem:s8+$0x60] =	vst.add.f32.msk $0xffff, v1  }
0xe4: {  	s26 =	sadd.s32 $0x1, s26  }
0xe5: {  	p0 =	sne.s32 s26, $0x10  }
.Ltmp7:
0xe6: {  	_ = 	snop;
	(pc) =	sbr.rel @p0 .LBB2_14-.Ltmp7, $2  }
0xe7: {  	_ =	sdelay $0x2  }
0xe8: {  	s22 =	sadd.s32 $0x1, s22;
	s1 =	sadd.s32 $0x400, s1  }
0xe9: {  	s1 =	simm.s32 $0x0  }
0xea: {  	[hbm4b:s13+s1] =	stream.linear.scatter [tilespmem:s23], [sflag:$0x6], $0x4000, $0x38;
	[tilespmem:$0x10000] =	vst v63  }
0xeb: {  	_ =	swait.ge [sflag:s30], $0x4000  }
0xec: {  	[sflag:s30] =	ssyncset.done $0x0  }
0xed: {  	[sflag:s30] =	ssyncadd.s32 $0xFFFFC000  }
0xee: {  	[tilespmem:s23], [sflag:$0x2] =	stream.linear.gather [hbm4b:s14+s1], $0x4000, $0x38;
	[tilespmem:$0x10000] =	vst v63  }
0xef: {  	_ =	swait.ge [sflag:s24], $0x4000  }
0xf0: {  	[sflag:s24] =	ssyncset.done $0x0  }
0xf1: {  	[sflag:s24] =	ssyncadd.s32 $0xFFFFC000  }
0xf2: {  	_ =	swait.ge [sflag:s31], $0x4000  }
0xf3: {  	[sflag:s31] =	ssyncset.done $0x0  }
0xf4: {  	s22 =	simm.s32 $0x0;
	s26 =	simm.s32 $0x0;
	[sflag:s31] =	ssyncadd.s32 $0xFFFFC000  }
.LBB2_18:
0xf5: {  	s3 =	sand.u32 $0x7, s22  }
0xf6: {  	s3 =	sshll.u32 s3, $0x9  }
0xf7: {  	s3 =	sshrl.u32 s3, $0x2  }
0xf8: {  	v0 =	vmov s3;
	_ =	sdelay $0x2  }
0xf9: {  	s4 =	sand.u32 $0x3FFFE000, s1  }
0xfa: {  	s6 =	sadd.s32 $0xC040, s4  }
0xfb: {  	v1 =	vld.idx.msk [tilespmem:v0+s6+$0x30 ss:$0x1], $0xffff  }
0xfc: {  	v2 =	vld.idx.msk [tilespmem:v0+s6+$0xFFFFFFD0 ss:$0x1], $0xffff  }
0xfd: {  	v3 =	vld.idx.msk [tilespmem:v0+s6+$0xFFFFFFE0 ss:$0x1], $0xffff  }
0xfe: {  	v4 =	vld.idx.msk [tilespmem:v0+s6+$0xFFFFFFF0 ss:$0x1], $0xffff  }
0xff: {  	v5 =	vld.idx.msk [tilespmem:v0+s6+$0x0 ss:$0x1], $0xffff  }
0x100: {  	v6 =	vld.idx.msk [tilespmem:v0+s6+$0x10 ss:$0x1], $0xffff  }
0x101: {  	s8 =	sadd.s32 s3, s4;
	v7 =	vld.idx.msk [tilespmem:v0+s6+$0xFFFFFFC0 ss:$0x1], $0xffff  }
0x102: {  	[tilespmem:s8+$0x70] =	vst.add.f32.msk $0xffff, v1  }
0x103: {  	v1 =	vld.idx.msk [tilespmem:v0+s6+$0x20 ss:$0x1], $0xffff  }
0x104: {  	[tilespmem:s8+$0x10] =	vst.add.f32.msk $0xffff, v2  }
0x105: {  	[tilespmem:s8+$0x20] =	vst.add.f32.msk $0xffff, v3  }
0x106: {  	[tilespmem:s8+$0x30] =	vst.add.f32.msk $0xffff, v4  }
0x107: {  	[tilespmem:s8+$0x40] =	vst.add.f32.msk $0xffff, v5  }
0x108: {  	[tilespmem:s8+$0x50] =	vst.add.f32.msk $0xffff, v6  }
0x109: {  	[tilespmem:s8+$0x0] =	vst.add.f32.msk $0xffff, v7  }
0x10a: {  	s5 =	simm.s32 $0x0;
	s6 =	sadd.s32 $0x400, s6;
	[tilespmem:s8+$0x60] =	vst.add.f32.msk $0xffff, v1  }
.LBB2_19:
0x10b: {  	v1 =	vld.idx.msk [tilespmem:v0+s6+$0x30 ss:$0x1], $0xffff;
	s5 =	sadd.s32 $0x8, s5  }
0x10c: {  	v2 =	vld.idx.msk [tilespmem:v0+s6+$0xFFFFFFD0 ss:$0x1], $0xffff;
	p0 =	slt.u32 s5, $0x38  }
0x10d: {  	v3 =	vld.idx.msk [tilespmem:v0+s6+$0xFFFFFFE0 ss:$0x1], $0xffff  }
0x10e: {  	v4 =	vld.idx.msk [tilespmem:v0+s6+$0xFFFFFFF0 ss:$0x1], $0xffff  }
0x10f: {  	s4 =	sadd.s32 $0x400, s4;
	v5 =	vld.idx.msk [tilespmem:v0+s6+$0x0 ss:$0x1], $0xffff  }
0x110: {  	s8 =	sadd.s32 s3, s4;
	v6 =	vld.idx.msk [tilespmem:v0+s6+$0x10 ss:$0x1], $0xffff  }
0x111: {  	[tilespmem:s8+$0x70] =	vst.add.f32.msk $0xffff, v1  }
0x112: {  	v1 =	vld.idx.msk [tilespmem:v0+s6+$0x20 ss:$0x1], $0xffff  }
0x113: {  	v7 =	vld.idx.msk [tilespmem:v0+s6+$0xFFFFFFC0 ss:$0x1], $0xffff  }
0x114: {  	[tilespmem:s8+$0x10] =	vst.add.f32.msk $0xffff, v2  }
0x115: {  	[tilespmem:s8+$0x20] =	vst.add.f32.msk $0xffff, v3  }
.Ltmp8:
0x116: {  	[tilespmem:s8+$0x30] =	vst.add.f32.msk $0xffff, v4;
	(pc) =	sbr.rel @p0 .LBB2_19-.Ltmp8, $4  }
0x117: {  	[tilespmem:s8+$0x40] =	vst.add.f32.msk $0xffff, v5  }
0x118: {  	[tilespmem:s8+$0x50] =	vst.add.f32.msk $0xffff, v6  }
0x119: {  	[tilespmem:s8+$0x0] =	vst.add.f32.msk $0xffff, v7  }
0x11a: {  	s6 =	sadd.s32 $0x400, s6;
	[tilespmem:s8+$0x60] =	vst.add.f32.msk $0xffff, v1  }
0x11b: {  	s26 =	sadd.s32 $0x1, s26  }
0x11c: {  	p0 =	sne.s32 s26, $0x10  }
.Ltmp9:
0x11d: {  	_ = 	snop;
	(pc) =	sbr.rel @p0 .LBB2_18-.Ltmp9, $2  }
0x11e: {  	_ =	sdelay $0x2  }
0x11f: {  	s22 =	sadd.s32 $0x1, s22;
	s1 =	sadd.s32 $0x400, s1  }
0x120: {  	s1 =	simm.s32 $0x0  }
0x121: {  	[hbm4b:s15+s1] =	stream.linear.scatter [tilespmem:s1], [sflag:$0x5], $0x4000, $0x38;
	[tilespmem:$0x10000] =	vst v63  }
0x122: {  	_ =	swait.ge [sflag:s28], $0x4000  }
0x123: {  	[sflag:s28] =	ssyncset.done $0x0  }
0x124: {  	[sflag:s28] =	ssyncadd.s32 $0xFFFFC000  }
0x125: {  	[tilespmem:s1], [sflag:$0x1] =	stream.linear.gather [hbm4b:s16+s1], $0x4000, $0x38;
	[tilespmem:$0x10000] =	vst v63  }
0x126: {  	_ =	swait.ge [sflag:s29], $0x4000  }
0x127: {  	[sflag:s29] =	ssyncset.done $0x0  }
0x128: {  	s22 =	simm.s32 $0x0;
	s26 =	simm.s32 $0x0;
	[sflag:s29] =	ssyncadd.s32 $0xFFFFC000  }
.LBB2_22:
0x129: {  	s3 =	sand.u32 $0x7, s22  }
0x12a: {  	s3 =	sshll.u32 s3, $0x9  }
0x12b: {  	s3 =	sshrl.u32 s3, $0x2  }
0x12c: {  	v0 =	vmov s3;
	_ =	sdelay $0x2  }
0x12d: {  	s4 =	sand.u32 $0x3FFFE000, s1  }
0x12e: {  	s6 =	sadd.s32 $0xC040, s4  }
0x12f: {  	v1 =	vld.idx.msk [tilespmem:v0+s6+$0x30 ss:$0x1], $0xffff  }
0x130: {  	v2 =	vld.idx.msk [tilespmem:v0+s6+$0xFFFFFFD0 ss:$0x1], $0xffff  }
0x131: {  	v3 =	vld.idx.msk [tilespmem:v0+s6+$0xFFFFFFE0 ss:$0x1], $0xffff  }
0x132: {  	v4 =	vld.idx.msk [tilespmem:v0+s6+$0xFFFFFFF0 ss:$0x1], $0xffff  }
0x133: {  	v5 =	vld.idx.msk [tilespmem:v0+s6+$0x0 ss:$0x1], $0xffff  }
0x134: {  	s4 =	sadd.s32 $0x4000, s4;
	v6 =	vld.idx.msk [tilespmem:v0+s6+$0x10 ss:$0x1], $0xffff  }
0x135: {  	s8 =	sadd.s32 s3, s4;
	v7 =	vld.idx.msk [tilespmem:v0+s6+$0xFFFFFFC0 ss:$0x1], $0xffff  }
0x136: {  	[tilespmem:s8+$0x70] =	vst.add.f32.msk $0xffff, v1  }
0x137: {  	v1 =	vld.idx.msk [tilespmem:v0+s6+$0x20 ss:$0x1], $0xffff  }
0x138: {  	[tilespmem:s8+$0x10] =	vst.add.f32.msk $0xffff, v2  }
0x139: {  	[tilespmem:s8+$0x20] =	vst.add.f32.msk $0xffff, v3  }
0x13a: {  	[tilespmem:s8+$0x30] =	vst.add.f32.msk $0xffff, v4  }
0x13b: {  	[tilespmem:s8+$0x40] =	vst.add.f32.msk $0xffff, v5  }
0x13c: {  	[tilespmem:s8+$0x50] =	vst.add.f32.msk $0xffff, v6  }
0x13d: {  	[tilespmem:s8+$0x0] =	vst.add.f32.msk $0xffff, v7  }
0x13e: {  	s5 =	simm.s32 $0x0;
	s6 =	sadd.s32 $0x400, s6;
	[tilespmem:s8+$0x60] =	vst.add.f32.msk $0xffff, v1  }
.LBB2_23:
0x13f: {  	v1 =	vld.idx.msk [tilespmem:v0+s6+$0x30 ss:$0x1], $0xffff;
	s5 =	sadd.s32 $0x8, s5  }
0x140: {  	v2 =	vld.idx.msk [tilespmem:v0+s6+$0xFFFFFFD0 ss:$0x1], $0xffff;
	p0 =	slt.u32 s5, $0x38  }
0x141: {  	v3 =	vld.idx.msk [tilespmem:v0+s6+$0xFFFFFFE0 ss:$0x1], $0xffff  }
0x142: {  	v4 =	vld.idx.msk [tilespmem:v0+s6+$0xFFFFFFF0 ss:$0x1], $0xffff  }
0x143: {  	s4 =	sadd.s32 $0x400, s4;
	v5 =	vld.idx.msk [tilespmem:v0+s6+$0x0 ss:$0x1], $0xffff  }
0x144: {  	s8 =	sadd.s32 s3, s4;
	v6 =	vld.idx.msk [tilespmem:v0+s6+$0x10 ss:$0x1], $0xffff  }
0x145: {  	[tilespmem:s8+$0x70] =	vst.add.f32.msk $0xffff, v1  }
0x146: {  	v1 =	vld.idx.msk [tilespmem:v0+s6+$0x20 ss:$0x1], $0xffff  }
0x147: {  	v7 =	vld.idx.msk [tilespmem:v0+s6+$0xFFFFFFC0 ss:$0x1], $0xffff  }
0x148: {  	[tilespmem:s8+$0x10] =	vst.add.f32.msk $0xffff, v2  }
0x149: {  	[tilespmem:s8+$0x20] =	vst.add.f32.msk $0xffff, v3  }
.Ltmp10:
0x14a: {  	[tilespmem:s8+$0x30] =	vst.add.f32.msk $0xffff, v4;
	(pc) =	sbr.rel @p0 .LBB2_23-.Ltmp10, $4  }
0x14b: {  	[tilespmem:s8+$0x40] =	vst.add.f32.msk $0xffff, v5  }
0x14c: {  	[tilespmem:s8+$0x50] =	vst.add.f32.msk $0xffff, v6  }
0x14d: {  	[tilespmem:s8+$0x0] =	vst.add.f32.msk $0xffff, v7  }
0x14e: {  	s6 =	sadd.s32 $0x400, s6;
	[tilespmem:s8+$0x60] =	vst.add.f32.msk $0xffff, v1  }
0x14f: {  	s26 =	sadd.s32 $0x1, s26  }
0x150: {  	p0 =	sne.s32 s26, $0x10  }
.Ltmp11:
0x151: {  	_ = 	snop;
	(pc) =	sbr.rel @p0 .LBB2_22-.Ltmp11, $2  }
0x152: {  	_ =	sdelay $0x2  }
0x153: {  	s22 =	sadd.s32 $0x1, s22;
	s1 =	sadd.s32 $0x400, s1  }
0x154: {  	s1 =	simm.s32 $0x0  }
0x155: {  	[hbm4b:s17+s1] =	stream.linear.scatter [tilespmem:s23], [sflag:$0x6], $0x4000, $0x38;
	[tilespmem:$0x10000] =	vst v63  }
0x156: {  	_ =	swait.ge [sflag:s30], $0x4000  }
0x157: {  	[sflag:s30] =	ssyncset.done $0x0  }
0x158: {  	[sflag:s30] =	ssyncadd.s32 $0xFFFFC000  }
0x159: {  	[tilespmem:s23], [sflag:$0x2] =	stream.linear.gather [hbm4b:s18+s1], $0x4000, $0x38;
	[tilespmem:$0x10000] =	vst v63  }
0x15a: {  	_ =	swait.ge [sflag:s24], $0x4000  }
0x15b: {  	[sflag:s24] =	ssyncset.done $0x0  }
0x15c: {  	s22 =	simm.s32 $0x0;
	s26 =	simm.s32 $0x0;
	[sflag:s24] =	ssyncadd.s32 $0xFFFFC000  }
.LBB2_26:
0x15d: {  	s3 =	sand.u32 $0x7, s22  }
0x15e: {  	s3 =	sshll.u32 s3, $0x9  }
0x15f: {  	s3 =	sshrl.u32 s3, $0x2  }
0x160: {  	v0 =	vmov s3;
	_ =	sdelay $0x2  }
0x161: {  	s4 =	sand.u32 $0x3FFFE000, s1  }
0x162: {  	s6 =	sadd.s32 $0xC040, s4  }
0x163: {  	v1 =	vld.idx.msk [tilespmem:v0+s6+$0x30 ss:$0x1], $0xffff  }
0x164: {  	v2 =	vld.idx.msk [tilespmem:v0+s6+$0xFFFFFFD0 ss:$0x1], $0xffff  }
0x165: {  	v3 =	vld.idx.msk [tilespmem:v0+s6+$0xFFFFFFE0 ss:$0x1], $0xffff  }
0x166: {  	v4 =	vld.idx.msk [tilespmem:v0+s6+$0xFFFFFFF0 ss:$0x1], $0xffff  }
0x167: {  	v5 =	vld.idx.msk [tilespmem:v0+s6+$0x0 ss:$0x1], $0xffff  }
0x168: {  	v6 =	vld.idx.msk [tilespmem:v0+s6+$0x10 ss:$0x1], $0xffff  }
0x169: {  	s8 =	sadd.s32 s3, s4;
	v7 =	vld.idx.msk [tilespmem:v0+s6+$0xFFFFFFC0 ss:$0x1], $0xffff  }
0x16a: {  	[tilespmem:s8+$0x70] =	vst.add.f32.msk $0xffff, v1  }
0x16b: {  	v1 =	vld.idx.msk [tilespmem:v0+s6+$0x20 ss:$0x1], $0xffff  }
0x16c: {  	[tilespmem:s8+$0x10] =	vst.add.f32.msk $0xffff, v2  }
0x16d: {  	[tilespmem:s8+$0x20] =	vst.add.f32.msk $0xffff, v3  }
0x16e: {  	[tilespmem:s8+$0x30] =	vst.add.f32.msk $0xffff, v4  }
0x16f: {  	[tilespmem:s8+$0x40] =	vst.add.f32.msk $0xffff, v5  }
0x170: {  	[tilespmem:s8+$0x50] =	vst.add.f32.msk $0xffff, v6  }
0x171: {  	[tilespmem:s8+$0x0] =	vst.add.f32.msk $0xffff, v7  }
0x172: {  	s5 =	simm.s32 $0x0;
	s6 =	sadd.s32 $0x400, s6;
	[tilespmem:s8+$0x60] =	vst.add.f32.msk $0xffff, v1  }
.LBB2_27:
0x173: {  	v1 =	vld.idx.msk [tilespmem:v0+s6+$0x30 ss:$0x1], $0xffff;
	s5 =	sadd.s32 $0x8, s5  }
0x174: {  	v2 =	vld.idx.msk [tilespmem:v0+s6+$0xFFFFFFD0 ss:$0x1], $0xffff;
	p0 =	slt.u32 s5, $0x38  }
0x175: {  	v3 =	vld.idx.msk [tilespmem:v0+s6+$0xFFFFFFE0 ss:$0x1], $0xffff  }
0x176: {  	v4 =	vld.idx.msk [tilespmem:v0+s6+$0xFFFFFFF0 ss:$0x1], $0xffff  }
0x177: {  	s4 =	sadd.s32 $0x400, s4;
	v5 =	vld.idx.msk [tilespmem:v0+s6+$0x0 ss:$0x1], $0xffff  }
0x178: {  	s8 =	sadd.s32 s3, s4;
	v6 =	vld.idx.msk [tilespmem:v0+s6+$0x10 ss:$0x1], $0xffff  }
0x179: {  	[tilespmem:s8+$0x70] =	vst.add.f32.msk $0xffff, v1  }
0x17a: {  	v1 =	vld.idx.msk [tilespmem:v0+s6+$0x20 ss:$0x1], $0xffff  }
0x17b: {  	v7 =	vld.idx.msk [tilespmem:v0+s6+$0xFFFFFFC0 ss:$0x1], $0xffff  }
0x17c: {  	[tilespmem:s8+$0x10] =	vst.add.f32.msk $0xffff, v2  }
0x17d: {  	[tilespmem:s8+$0x20] =	vst.add.f32.msk $0xffff, v3  }
.Ltmp12:
0x17e: {  	[tilespmem:s8+$0x30] =	vst.add.f32.msk $0xffff, v4;
	(pc) =	sbr.rel @p0 .LBB2_27-.Ltmp12, $4  }
0x17f: {  	[tilespmem:s8+$0x40] =	vst.add.f32.msk $0xffff, v5  }
0x180: {  	[tilespmem:s8+$0x50] =	vst.add.f32.msk $0xffff, v6  }
0x181: {  	[tilespmem:s8+$0x0] =	vst.add.f32.msk $0xffff, v7  }
0x182: {  	s6 =	sadd.s32 $0x400, s6;
	[tilespmem:s8+$0x60] =	vst.add.f32.msk $0xffff, v1  }
0x183: {  	s26 =	sadd.s32 $0x1, s26  }
0x184: {  	p0 =	sne.s32 s26, $0x10  }
.Ltmp13:
0x185: {  	_ = 	snop;
	(pc) =	sbr.rel @p0 .LBB2_26-.Ltmp13, $2  }
0x186: {  	_ =	sdelay $0x2  }
0x187: {  	s22 =	sadd.s32 $0x1, s22;
	s1 =	sadd.s32 $0x400, s1  }
0x188: {  	s1 =	simm.s32 $0x0  }
0x189: {  	[hbm4b:s19+s1] =	stream.linear.scatter [tilespmem:s1], [sflag:$0x5], $0x4000, $0x38;
	[tilespmem:$0x10000] =	vst v63  }
0x18a: {  	_ =	swait.ge [sflag:s29], $0x4000  }
0x18b: {  	[sflag:s29] =	ssyncset.done $0x0  }
0x18c: {  	s22 =	simm.s32 $0x0;
	s26 =	simm.s32 $0x0;
	[sflag:s29] =	ssyncadd.s32 $0xFFFFC000  }
.LBB2_30:
0x18d: {  	s3 =	sand.u32 $0x7, s22  }
0x18e: {  	s3 =	sshll.u32 s3, $0x9  }
0x18f: {  	s3 =	sshrl.u32 s3, $0x2  }
0x190: {  	v0 =	vmov s3;
	_ =	sdelay $0x2  }
0x191: {  	s4 =	sand.u32 $0x3FFFE000, s1  }
0x192: {  	s6 =	sadd.s32 $0xC040, s4  }
0x193: {  	v1 =	vld.idx.msk [tilespmem:v0+s6+$0x30 ss:$0x1], $0xffff  }
0x194: {  	v2 =	vld.idx.msk [tilespmem:v0+s6+$0xFFFFFFD0 ss:$0x1], $0xffff  }
0x195: {  	v3 =	vld.idx.msk [tilespmem:v0+s6+$0xFFFFFFE0 ss:$0x1], $0xffff  }
0x196: {  	v4 =	vld.idx.msk [tilespmem:v0+s6+$0xFFFFFFF0 ss:$0x1], $0xffff  }
0x197: {  	v5 =	vld.idx.msk [tilespmem:v0+s6+$0x0 ss:$0x1], $0xffff  }
0x198: {  	s4 =	sadd.s32 $0x4000, s4;
	v6 =	vld.idx.msk [tilespmem:v0+s6+$0x10 ss:$0x1], $0xffff  }
0x199: {  	s8 =	sadd.s32 s3, s4;
	v7 =	vld.idx.msk [tilespmem:v0+s6+$0xFFFFFFC0 ss:$0x1], $0xffff  }
0x19a: {  	[tilespmem:s8+$0x70] =	vst.add.f32.msk $0xffff, v1  }
0x19b: {  	v1 =	vld.idx.msk [tilespmem:v0+s6+$0x20 ss:$0x1], $0xffff  }
0x19c: {  	[tilespmem:s8+$0x10] =	vst.add.f32.msk $0xffff, v2  }
0x19d: {  	[tilespmem:s8+$0x20] =	vst.add.f32.msk $0xffff, v3  }
0x19e: {  	[tilespmem:s8+$0x30] =	vst.add.f32.msk $0xffff, v4  }
0x19f: {  	[tilespmem:s8+$0x40] =	vst.add.f32.msk $0xffff, v5  }
0x1a0: {  	[tilespmem:s8+$0x50] =	vst.add.f32.msk $0xffff, v6  }
0x1a1: {  	[tilespmem:s8+$0x0] =	vst.add.f32.msk $0xffff, v7  }
0x1a2: {  	s5 =	simm.s32 $0x0;
	s6 =	sadd.s32 $0x400, s6;
	[tilespmem:s8+$0x60] =	vst.add.f32.msk $0xffff, v1  }
.LBB2_31:
0x1a3: {  	v1 =	vld.idx.msk [tilespmem:v0+s6+$0x30 ss:$0x1], $0xffff;
	s5 =	sadd.s32 $0x8, s5  }
0x1a4: {  	v2 =	vld.idx.msk [tilespmem:v0+s6+$0xFFFFFFD0 ss:$0x1], $0xffff;
	p0 =	slt.u32 s5, $0x38  }
0x1a5: {  	v3 =	vld.idx.msk [tilespmem:v0+s6+$0xFFFFFFE0 ss:$0x1], $0xffff  }
0x1a6: {  	v4 =	vld.idx.msk [tilespmem:v0+s6+$0xFFFFFFF0 ss:$0x1], $0xffff  }
0x1a7: {  	s4 =	sadd.s32 $0x400, s4;
	v5 =	vld.idx.msk [tilespmem:v0+s6+$0x0 ss:$0x1], $0xffff  }
0x1a8: {  	s8 =	sadd.s32 s3, s4;
	v6 =	vld.idx.msk [tilespmem:v0+s6+$0x10 ss:$0x1], $0xffff  }
0x1a9: {  	[tilespmem:s8+$0x70] =	vst.add.f32.msk $0xffff, v1  }
0x1aa: {  	v1 =	vld.idx.msk [tilespmem:v0+s6+$0x20 ss:$0x1], $0xffff  }
0x1ab: {  	v7 =	vld.idx.msk [tilespmem:v0+s6+$0xFFFFFFC0 ss:$0x1], $0xffff  }
0x1ac: {  	[tilespmem:s8+$0x10] =	vst.add.f32.msk $0xffff, v2  }
0x1ad: {  	[tilespmem:s8+$0x20] =	vst.add.f32.msk $0xffff, v3  }
.Ltmp14:
0x1ae: {  	[tilespmem:s8+$0x30] =	vst.add.f32.msk $0xffff, v4;
	(pc) =	sbr.rel @p0 .LBB2_31-.Ltmp14, $4  }
0x1af: {  	[tilespmem:s8+$0x40] =	vst.add.f32.msk $0xffff, v5  }
0x1b0: {  	[tilespmem:s8+$0x50] =	vst.add.f32.msk $0xffff, v6  }
0x1b1: {  	[tilespmem:s8+$0x0] =	vst.add.f32.msk $0xffff, v7  }
0x1b2: {  	s6 =	sadd.s32 $0x400, s6;
	[tilespmem:s8+$0x60] =	vst.add.f32.msk $0xffff, v1  }
0x1b3: {  	s26 =	sadd.s32 $0x1, s26  }
0x1b4: {  	p0 =	sne.s32 s26, $0x10  }
.Ltmp15:
0x1b5: {  	_ = 	snop;
	(pc) =	sbr.rel @p0 .LBB2_30-.Ltmp15, $2  }
0x1b6: {  	_ =	sdelay $0x2  }
0x1b7: {  	s22 =	sadd.s32 $0x1, s22;
	s1 =	sadd.s32 $0x400, s1  }
0x1b8: {  	[hbm4b:s20+s2] =	stream.linear.scatter [tilespmem:s23], [sflag:$0x6], $0x4000, $0x38;
	[tilespmem:$0x10000] =	vst v63  }
0x1b9: {  	s0 =	sadd.s32 $0x1, s0  }
0x1ba: {  	_ =	swait.ge [sflag:s28], $0x4000;
	p0 =	sne.s32 s0, s21  }
.Ltmp16:
0x1bb: {  	[sflag:s28] =	ssyncset.done $0x0;
	(pc) =	sbr.rel @p0 .LBB2_1-.Ltmp16, $4  }
0x1bc: {  	[sflag:s28] =	ssyncadd.s32 $0xFFFFC000  }
0x1bd: {  	_ =	swait.ge [sflag:s30], $0x4000  }
0x1be: {  	[sflag:s30] =	ssyncset.done $0x0  }
0x1bf: {  	[sflag:s30] =	ssyncadd.s32 $0xFFFFC000  }
0x1c0: {  	_ =	sfence.sel $0x180000  }
0x1c1: {  	[bflag:$0x0] =	sbarrier.arrive $0xFFFF  }
0x1c2: {  	_ =	strace $0x90000047  }
0x1c3: {  	s0 =	stileid.u32;
	[bflag:$0x2] =	sbarrier.arrive $0xFFFF  }
0x1c4: {  	p0 =	sne.s32 s0, $0x0;
	s0 =	rddreg [dreg:$0x3]  }
0x1c5: {  	s0 =	sadd.s32 @!p0 $0x100000, s0  }
0x1c6: {  	[sflag:s0] =	ssyncadd.tile.s32 @!p0 $0x1;
	_ =	shalt  }
.Lfunc_end2:
_tile_overlayer_lowered:
.L_overlay_start_2:
0x1c7: {  	(tag) =	ssettag $0x2  }
0x1c8: {  	s0 =	rddreg [dreg:$0x0];
	s2 =	stileid.u32  }
0x1c9: {  	s1 =	rddreg [dreg:$0x1];
	p0 =	sne.s32 s2, $0x0  }
0x1ca: {  	s3 =	rddreg [dreg:$0x2];
	[bflag:$0x3] =	sbarrier.arrive $0xFFFF;
	s2 =	simm.s32 @!p0 $0x1C07  }
0x1cb: {  	[timem:s3], [sflag:s2] =	dma.local @!p0 [hbm:s0], s1  }
0x1cc: {  	s0 =	simm.s32 @!p0 $0x7  }
0x1cd: {  	_ =	swait.ge @!p0 [sflag:s0], s1  }
0x1ce: {  	s1 =	ssub.s32 @!p0 $0x0, s1;
	[sflag:s0] =	ssyncset.done @!p0 $0x0  }
0x1cf: {  	[sflag:s0] =	ssyncadd.s32 @!p0 s1  }
0x1d0: {  	[bflag:$0x3] =	sbarrier.arrive $0xFFFF  }
0x1d1: {  	_ =	shalt  }

</sc_bundles>
